<compile_context>
chip_gen: v7x
topology: tpu7x:2x2x1
jax: 0.10.2.dev20260603
libtpu: 0.0.44.dev20260713+nightly
codegen_flags: <defaults>
</compile_context>

<pallas_src>
import functools

import jax
import jax.numpy as jnp
from jax import lax
from jax.experimental import pallas as pl
from jax.experimental.pallas import tpu as pltpu
from jax.experimental.pallas import tpu_sc as plsc

NC = 2
NS = 16
NW = NC * NS

CH = 128
N_CHUNK = 80
N_HALF = N_CHUNK // 2
ZR = 32
PAD_N = 10240
DUMP_ROW = 10100


def _sc_segment_sum(table, gidx3, sidx3):
  d = table.shape[1]
  rows_pt = PAD_N // NS
  mesh = plsc.VectorSubcoreMesh(core_axis_name="c", subcore_axis_name="s")

  @functools.partial(
      pl.kernel,
      out_type=jax.ShapeDtypeStruct((NC, PAD_N, d), jnp.float32),
      mesh=mesh,
      scratch_types=[
          pltpu.VMEM((N_HALF, CH), jnp.int32),
          pltpu.VMEM((N_HALF, CH), jnp.int32),
          pltpu.VMEM((CH, d), jnp.float32),
          pltpu.VMEM((CH, d), jnp.float32),
          pltpu.VMEM((ZR, d), jnp.float32),
          pltpu.VMEM_SHARED((PAD_N, d), jnp.float32),
          pltpu.SemaphoreType.DMA,
          pltpu.SemaphoreType.DMA,
      ],
  )
  def k(tbl_hbm, gidx_hbm, sidx_hbm, out_hbm, gv, sv, rows0, rows1, zbuf,
        acc, sem0, sem1):
    c = lax.axis_index("c")
    s = lax.axis_index("s")
    wid = c * NS + s

    pltpu.async_copy(gidx_hbm.at[wid, pl.ds(0, N_HALF)], gv, sem1)
    pltpu.async_copy(sidx_hbm.at[wid, pl.ds(0, N_HALF)], sv, sem1)

    zero16 = jnp.zeros((16,), jnp.float32)

    def zrow(i, _):
      def zcol(j, _):
        zbuf[i, pl.ds(j * 16, 16)] = zero16
        return 0
      return lax.fori_loop(0, d // 16, zcol, 0)

    lax.fori_loop(0, ZR, zrow, 0)

    def zcopy(r, _):
      pltpu.async_copy(zbuf, acc.at[pl.ds(s * rows_pt + r * ZR, ZR)], sem0)
      return 0

    lax.fori_loop(0, rows_pt // ZR, zcopy, 0)

    def zwait(r, _):
      pltpu.make_async_copy(
          zbuf, acc.at[pl.ds(s * rows_pt + r * ZR, ZR)], sem0).wait()
      return 0

    lax.fori_loop(0, rows_pt // ZR, zwait, 0)
    plsc.subcore_barrier()

    n_t = N_HALF // 2
    for half in range(2):
      if half == 0:
        pltpu.make_async_copy(gidx_hbm.at[wid, pl.ds(0, N_HALF)], gv,
                              sem1).wait()
        pltpu.make_async_copy(sidx_hbm.at[wid, pl.ds(0, N_HALF)], sv,
                              sem1).wait()
      else:
        pltpu.sync_copy(gidx_hbm.at[wid, pl.ds(N_HALF, N_HALF)], gv)
        pltpu.sync_copy(sidx_hbm.at[wid, pl.ds(N_HALF, N_HALF)], sv)
      pltpu.async_copy(tbl_hbm.at[gv.at[0]], rows0, sem0)

      def body(t, _):
        j = 2 * t
        pltpu.async_copy(tbl_hbm.at[gv.at[j + 1]], rows1, sem1)
        pltpu.make_async_copy(tbl_hbm.at[gv.at[j]], rows0, sem0).wait()
        pltpu.sync_copy(rows0, acc.at[sv.at[j]], add=True)

        @pl.when(t + 1 < n_t)
        def _():
          pltpu.async_copy(tbl_hbm.at[gv.at[j + 2]], rows0, sem0)

        pltpu.make_async_copy(tbl_hbm.at[gv.at[j + 1]], rows1, sem1).wait()
        pltpu.sync_copy(rows1, acc.at[sv.at[j + 1]], add=True)
        return 0

      lax.fori_loop(0, n_t, body, 0)
    plsc.subcore_barrier()

    n_dr = rows_pt // ZR

    def wcopy(r, _):
      rs = s * rows_pt + r * ZR
      pltpu.async_copy(acc.at[pl.ds(rs, ZR)], out_hbm.at[c, pl.ds(rs, ZR)],
                       sem0)
      return 0

    lax.fori_loop(0, n_dr, wcopy, 0)

    def wdrain(r, _):
      rs = s * rows_pt + r * ZR
      pltpu.make_async_copy(acc.at[pl.ds(rs, ZR)],
                            out_hbm.at[c, pl.ds(rs, ZR)], sem0).wait()
      return 0

    lax.fori_loop(0, n_dr, wdrain, 0)

  return k(table, gidx3, sidx3)


def _combine(p, n):
  d = p.shape[2]
  bm = 1000

  def body(p_ref, o_ref):
    o_ref[...] = p_ref[0] + p_ref[1]

  return pl.pallas_call(
      body,
      grid=(n // bm,),
      in_specs=[pl.BlockSpec((NC, bm, d), lambda i: (0, i, 0))],
      out_specs=pl.BlockSpec((bm, d), lambda i: (i, 0)),
      out_shape=jax.ShapeDtypeStruct((n, d), jnp.float32),
  )(p)


def _gin_update(x0, q, w, b2, eps2):
  n, d = x0.shape
  bm = 1000

  def body(eps_ref, x_ref, q_ref, w_ref, b_ref, o_ref):
    scale = 1.0 + eps_ref[0, 0]
    a = x_ref[...] * scale + q_ref[0] + q_ref[1]
    o_ref[...] = lax.dot_general(
        a, w_ref[...], (((1,), (1,)), ((), ())),
        preferred_element_type=jnp.float32) + b_ref[...]

  return pl.pallas_call(
      body,
      grid=(n // bm,),
      in_specs=[
          pl.BlockSpec(memory_space=pltpu.SMEM),
          pl.BlockSpec((bm, d), lambda i: (i, 0)),
          pl.BlockSpec((NC, bm, d), lambda i: (0, i, 0)),
          pl.BlockSpec((d, d), lambda i: (0, 0)),
          pl.BlockSpec((1, d), lambda i: (0, 0)),
      ],
      out_specs=pl.BlockSpec((bm, d), lambda i: (i, 0)),
      out_shape=jax.ShapeDtypeStruct((n, d), jnp.float32),
  )(eps2, x0, q, w, b2)


def kernel(x_0, incidence_indices, W, b, eps):
  n_nodes, d = x_0.shape
  nnz = incidence_indices.shape[1]
  n_hedges = n_nodes
  nnz_p = NW * N_CHUNK * CH
  pad = nnz_p - nnz

  node_idx = incidence_indices[0]
  edge_idx = incidence_indices[1]
  pad_g = (jnp.arange(pad, dtype=jnp.int32) * 37) % n_nodes
  pad_s = DUMP_ROW + (jnp.arange(pad, dtype=jnp.int32) % (PAD_N - DUMP_ROW))
  shape3 = (NW, N_CHUNK, CH)
  nidx_g = jnp.concatenate([node_idx, pad_g]).reshape(shape3)
  nidx_s = jnp.concatenate([node_idx, pad_s]).reshape(shape3)
  eidx_g = jnp.concatenate([edge_idx, pad_g]).reshape(shape3)
  eidx_s = jnp.concatenate([edge_idx, pad_s]).reshape(shape3)

  p = _sc_segment_sum(x_0, nidx_g, eidx_s)
  x_1 = _combine(p, n_hedges)
  q = _sc_segment_sum(x_1, eidx_g, nidx_s)
  x0_out = _gin_update(x_0, q, W, b.reshape(1, d), eps.reshape(1, 1))
  return (x0_out, x_1)

# --- scband reference (transcript-rebuilt; emitter-appended) ---
"""Pipeline reference for scband-uni-ginlayer-7198365188795 (READ-ONLY COPY).

The authoritative reference and input builder live on the scoring server;
editing this copy changes nothing except your own understanding.
"""

import jax, jax.numpy as jnp
import numpy as np

N_NODES = 10000
N_HEDGES = 10000
NNZ = 320000
D = 128

def setup_inputs(seed: int = 0) -> dict:
    key = jax.random.key(seed)
    k1, k2, k3, k4 = jax.random.split(key, 4)
    x_0 = jax.random.normal(k1, (N_NODES, D), dtype=jnp.float32)
    node_idx = jax.random.randint(k2, (NNZ,), 0, N_NODES)
    edge_idx = jax.random.randint(k3, (NNZ,), 0, N_HEDGES)
    incidence_indices = jnp.stack([node_idx, edge_idx]).astype(jnp.int32)
    # Linear(in_channels, in_channels) params
    W = (jax.random.normal(k4, (D, D), dtype=jnp.float32) / np.sqrt(D)).astype(jnp.float32)
    b = jnp.zeros((D,), dtype=jnp.float32)
    # eps buffer (train_eps=False)
    eps = jnp.array([0.0], dtype=jnp.float32)
    return {"x_0": x_0, "incidence_indices": incidence_indices, "W": W, "b": b, "eps": eps}

def reference(x_0, incidence_indices, W, b, eps):
    # incidence_1 is a sparse (N_NODES, N_HEDGES) matrix with ones at
    # (node_idx[i], edge_idx[i]). torch.sparse.mm(B^T, x_0) == per-hyperedge
    # sum of incident node features; torch.sparse.mm(B, x_1) == per-node sum
    # of incident hyperedge features.
    node_idx = incidence_indices[0]
    edge_idx = incidence_indices[1]
    # step 1: x_1 = B_1^T @ x_0  (hyperedge features)
    x_1 = jax.ops.segment_sum(jnp.take(x_0, node_idx, axis=0), edge_idx, num_segments=N_HEDGES)
    # step 2: m_1_0 = B_1 @ x_1  (messages back to nodes)
    m_1_0 = jax.ops.segment_sum(jnp.take(x_1, edge_idx, axis=0), node_idx, num_segments=N_NODES)
    # step 3: GIN update
    x0_out = ((1.0 + eps) * x_0 + m_1_0) @ W.T + b
    return (x0_out, x_1)

if __name__ == "__main__":
    import jax
    _d = setup_inputs()
    print(jax.jit(kernel)(*tuple(_d.values())))

</pallas_src>

<mosaic_0001>
#map = affine_map<(d0, d1) -> (0, 0)>
#map1 = affine_map<(d0, d1) -> (0, 0, 0)>
module attributes {stable_mosaic.version = 14 : i64} {
  func.func @k(%arg0: i32, %arg1: i32, %arg2: memref<10000x128xf32, #tpu.memory_space<hbm>>, %arg3: memref<32x80x128xi32, #tpu.memory_space<hbm>>, %arg4: memref<32x80x128xi32, #tpu.memory_space<hbm>>, %arg5: memref<2x10240x128xf32, #tpu.memory_space<hbm>>, %arg6: memref<40x128xi32, #tpu.memory_space<vmem>>, %arg7: memref<40x128xi32, #tpu.memory_space<vmem>>, %arg8: memref<128x128xf32, #tpu.memory_space<vmem>>, %arg9: memref<128x128xf32, #tpu.memory_space<vmem>>, %arg10: memref<32x128xf32, #tpu.memory_space<vmem>>, %arg11: memref<10240x128xf32, #tpu.memory_space<vmem_shared>>, %arg12: memref<!tpu.dma_semaphore, #tpu.memory_space<semaphore_mem>>, %arg13: memref<!tpu.dma_semaphore, #tpu.memory_space<semaphore_mem>>) attributes {dimension_semantics = [#tpu.dimension_semantics<core_parallel>, #tpu.dimension_semantics<subcore_parallel>], iteration_bounds = array<i64: 2, 16>, scalar_prefetch = 0 : i64, scratch_operands = 8 : i64, tpu.core_type = #tpu.core_type<sc_vector_subcore>, window_params = [{transform_indices = #map}, {transform_indices = #map1}, {transform_indices = #map1}, {transform_indices = #map1}]} {
    %mul3A = arith.constant 16 : i32
    %mul3A_0 = arith.muli %arg0, %mul3A : i32
    %add3A = arith.addi %mul3A_0, %arg1 : i32
    %dma_start3A = arith.constant 0 : i32
    %dma_start3A_1 = arith.constant 0 : i32
    %dma_start3A_2 = tpu.memref_slice %arg3[%add3A, %dma_start3A, %dma_start3A_1] : memref<32x80x128xi32, #tpu.memory_space<hbm>> -> memref<1x40x128xi32, #tpu.memory_space<hbm>>
    %dma_start3A_3 = tpu.memref_squeeze %dma_start3A_2 : memref<1x40x128xi32, #tpu.memory_space<hbm>> -> memref<40x128xi32, #tpu.memory_space<hbm>>
    %dma_start3A_4 = arith.constant 0 : i32
    %dma_start3A_5 = arith.constant 0 : i32
    %dma_start3A_6 = tpu.memref_slice %arg3[%add3A, %dma_start3A_4, %dma_start3A_5] : memref<32x80x128xi32, #tpu.memory_space<hbm>> -> memref<1x40x128xi32, #tpu.memory_space<hbm>>
    %dma_start3A_7 = tpu.memref_squeeze %dma_start3A_6 : memref<1x40x128xi32, #tpu.memory_space<hbm>> -> memref<40x128xi32, #tpu.memory_space<hbm>>
    tpu.enqueue_dma source(%dma_start3A_7 : memref<40x128xi32, #tpu.memory_space<hbm>>) target(%arg6 : memref<40x128xi32, #tpu.memory_space<vmem>>) target_semaphore(%arg13 : memref<!tpu.dma_semaphore, #tpu.memory_space<semaphore_mem>>)
    %dma_start3A_8 = arith.constant 0 : i32
    %dma_start3A_9 = arith.constant 0 : i32
    %dma_start3A_10 = tpu.memref_slice %arg4[%add3A, %dma_start3A_8, %dma_start3A_9] : memref<32x80x128xi32, #tpu.memory_space<hbm>> -> memref<1x40x128xi32, #tpu.memory_space<hbm>>
    %dma_start3A_11 = tpu.memref_squeeze %dma_start3A_10 : memref<1x40x128xi32, #tpu.memory_space<hbm>> -> memref<40x128xi32, #tpu.memory_space<hbm>>
    %dma_start3A_12 = arith.constant 0 : i32
    %dma_start3A_13 = arith.constant 0 : i32
    %dma_start3A_14 = tpu.memref_slice %arg4[%add3A, %dma_start3A_12, %dma_start3A_13] : memref<32x80x128xi32, #tpu.memory_space<hbm>> -> memref<1x40x128xi32, #tpu.memory_space<hbm>>
    %dma_start3A_15 = tpu.memref_squeeze %dma_start3A_14 : memref<1x40x128xi32, #tpu.memory_space<hbm>> -> memref<40x128xi32, #tpu.memory_space<hbm>>
    tpu.enqueue_dma source(%dma_start3A_15 : memref<40x128xi32, #tpu.memory_space<hbm>>) target(%arg7 : memref<40x128xi32, #tpu.memory_space<vmem>>) target_semaphore(%arg13 : memref<!tpu.dma_semaphore, #tpu.memory_space<semaphore_mem>>)
    %broadcast_in_dim3A = arith.constant 0.000000e+00 : f32
    %broadcast_in_dim3A_16 = vector.broadcast %broadcast_in_dim3A : f32 to vector<16xf32>
    %scan3A = arith.constant 0 : i32
    %scan3A_17 = arith.constant 0 : i32
    %scan3A_18 = arith.constant 32 : i32
    %scan3A_19 = arith.addi %scan3A_17, %scan3A_18 : i32
    %scan3A_20 = arith.constant 1 : i32
    %scan3A_21 = scf.for %scan3A_95 = %scan3A_17 to %scan3A_19 step %scan3A_20 iter_args(%scan3A_96 = %scan3A) -> (i32)  : i32 {
      %scan3A_97 = arith.constant 0 : i32
      %scan3A_98 = arith.constant 0 : i32
      %scan3A_99 = arith.constant 8 : i32
      %scan3A_100 = arith.addi %scan3A_98, %scan3A_99 : i32
      %scan3A_101 = arith.constant 1 : i32
      %scan3A_102 = scf.for %scan3A_104 = %scan3A_98 to %scan3A_100 step %scan3A_101 iter_args(%scan3A_105 = %scan3A_97) -> (i32)  : i32 {
        %mul3A_106 = arith.constant 16 : i32
        %mul3A_107 = arith.muli %scan3A_104, %mul3A_106 : i32
        %swap3A = arith.index_cast %scan3A_95 : i32 to index
        %swap3A_108 = arith.index_cast %mul3A_107 : i32 to index
        %swap3A_109 = tpu.vector_load %arg10[%swap3A, %swap3A_108] {strides = array<i32>} : memref<32x128xf32, #tpu.memory_space<vmem>>, vector<1x16xf32>,
        %swap3A_110 = vector.shape_cast %swap3A_109 : vector<1x16xf32> to vector<16xf32>
        %swap3A_111 = vector.shape_cast %broadcast_in_dim3A_16 : vector<16xf32> to vector<1x16xf32>
        tpu.vector_store %arg10[%swap3A, %swap3A_108], %swap3A_111 {strides = array<i32>} : memref<32x128xf32, #tpu.memory_space<vmem>>, vector<1x16xf32>,
        %scan3A_112 = arith.constant 0 : i32
        scf.yield %scan3A_112 : i32
      }
      %scan3A_103 = arith.constant 8 : i32
      scf.yield %scan3A_102 : i32
    }
    %scan3A_22 = arith.constant 32 : i32
    %scan3A_23 = arith.constant 0 : i32
    %scan3A_24 = arith.constant 0 : i32
    %scan3A_25 = arith.constant 20 : i32
    %scan3A_26 = arith.addi %scan3A_24, %scan3A_25 : i32
    %scan3A_27 = arith.constant 1 : i32
    %scan3A_28 = scf.for %scan3A_95 = %scan3A_24 to %scan3A_26 step %scan3A_27 iter_args(%scan3A_96 = %scan3A_23) -> (i32)  : i32 {
      %mul3A_97 = arith.constant 640 : i32
      %mul3A_98 = arith.muli %arg1, %mul3A_97 : i32
      %mul3A_99 = arith.constant 32 : i32
      %mul3A_100 = arith.muli %scan3A_95, %mul3A_99 : i32
      %add3A_101 = arith.addi %mul3A_98, %mul3A_100 : i32
      %dma_start3A_102 = arith.constant 0 : i32
      %dma_start3A_103 = tpu.memref_slice %arg11[%add3A_101, %dma_start3A_102] : memref<10240x128xf32, #tpu.memory_space<vmem_shared>> -> memref<32x128xf32, #tpu.memory_space<vmem_shared>>
      %dma_start3A_104 = arith.constant 0 : i32
      %dma_start3A_105 = tpu.memref_slice %arg11[%add3A_101, %dma_start3A_104] : memref<10240x128xf32, #tpu.memory_space<vmem_shared>> -> memref<32x128xf32, #tpu.memory_space<vmem_shared>>
      tpu.enqueue_dma source(%arg10 : memref<32x128xf32, #tpu.memory_space<vmem>>) target(%dma_start3A_105 : memref<32x128xf32, #tpu.memory_space<vmem_shared>>) target_semaphore(%arg12 : memref<!tpu.dma_semaphore, #tpu.memory_space<semaphore_mem>>)
      %scan3A_106 = arith.constant 0 : i32
      scf.yield %scan3A_106 : i32
    }
    %scan3A_29 = arith.constant 20 : i32
    %scan3A_30 = arith.constant 0 : i32
    %scan3A_31 = arith.constant 0 : i32
    %scan3A_32 = arith.constant 20 : i32
    %scan3A_33 = arith.addi %scan3A_31, %scan3A_32 : i32
    %scan3A_34 = arith.constant 1 : i32
    %scan3A_35 = scf.for %scan3A_95 = %scan3A_31 to %scan3A_33 step %scan3A_34 iter_args(%scan3A_96 = %scan3A_30) -> (i32)  : i32 {
      %mul3A_97 = arith.constant 640 : i32
      %mul3A_98 = arith.muli %arg1, %mul3A_97 : i32
      %mul3A_99 = arith.constant 32 : i32
      %mul3A_100 = arith.muli %scan3A_95, %mul3A_99 : i32
      %add3A_101 = arith.addi %mul3A_98, %mul3A_100 : i32
      %dma_wait3A_102 = arith.constant 0 : i32
      %dma_wait3A_103 = tpu.memref_slice %arg11[%add3A_101, %dma_wait3A_102] : memref<10240x128xf32, #tpu.memory_space<vmem_shared>> -> memref<32x128xf32, #tpu.memory_space<vmem_shared>>
      %dma_wait3A_104 = arith.constant 0 : i32
      %dma_wait3A_105 = tpu.memref_slice %arg11[%add3A_101, %dma_wait3A_104] : memref<10240x128xf32, #tpu.memory_space<vmem_shared>> -> memref<32x128xf32, #tpu.memory_space<vmem_shared>>
      tpu.wait_dma2 semaphore(%arg12 : memref<!tpu.dma_semaphore, #tpu.memory_space<semaphore_mem>>) src(%arg10 : memref<32x128xf32, #tpu.memory_space<vmem>>) dst(%dma_wait3A_105 : memref<32x128xf32, #tpu.memory_space<vmem_shared>>)
      %scan3A_106 = arith.constant 0 : i32
      scf.yield %scan3A_106 : i32
    }
    %scan3A_36 = arith.constant 20 : i32
    %barrier3A = arith.constant 0 : index
    tpu.barrier barrier_id(%barrier3A)
    %dma_wait3A = arith.constant 0 : i32
    %dma_wait3A_37 = arith.constant 0 : i32
    %dma_wait3A_38 = tpu.memref_slice %arg3[%add3A, %dma_wait3A, %dma_wait3A_37] : memref<32x80x128xi32, #tpu.memory_space<hbm>> -> memref<1x40x128xi32, #tpu.memory_space<hbm>>
    %dma_wait3A_39 = tpu.memref_squeeze %dma_wait3A_38 : memref<1x40x128xi32, #tpu.memory_space<hbm>> -> memref<40x128xi32, #tpu.memory_space<hbm>>
    %dma_wait3A_40 = arith.constant 0 : i32
    %dma_wait3A_41 = arith.constant 0 : i32
    %dma_wait3A_42 = tpu.memref_slice %arg3[%add3A, %dma_wait3A_40, %dma_wait3A_41] : memref<32x80x128xi32, #tpu.memory_space<hbm>> -> memref<1x40x128xi32, #tpu.memory_space<hbm>>
    %dma_wait3A_43 = tpu.memref_squeeze %dma_wait3A_42 : memref<1x40x128xi32, #tpu.memory_space<hbm>> -> memref<40x128xi32, #tpu.memory_space<hbm>>
    tpu.wait_dma2 semaphore(%arg13 : memref<!tpu.dma_semaphore, #tpu.memory_space<semaphore_mem>>) src(%dma_wait3A_43 : memref<40x128xi32, #tpu.memory_space<hbm>>) dst(%arg6 : memref<40x128xi32, #tpu.memory_space<vmem>>)
    %dma_wait3A_44 = arith.constant 0 : i32
    %dma_wait3A_45 = arith.constant 0 : i32
    %dma_wait3A_46 = tpu.memref_slice %arg4[%add3A, %dma_wait3A_44, %dma_wait3A_45] : memref<32x80x128xi32, #tpu.memory_space<hbm>> -> memref<1x40x128xi32, #tpu.memory_space<hbm>>
    %dma_wait3A_47 = tpu.memref_squeeze %dma_wait3A_46 : memref<1x40x128xi32, #tpu.memory_space<hbm>> -> memref<40x128xi32, #tpu.memory_space<hbm>>
    %dma_wait3A_48 = arith.constant 0 : i32
    %dma_wait3A_49 = arith.constant 0 : i32
    %dma_wait3A_50 = tpu.memref_slice %arg4[%add3A, %dma_wait3A_48, %dma_wait3A_49] : memref<32x80x128xi32, #tpu.memory_space<hbm>> -> memref<1x40x128xi32, #tpu.memory_space<hbm>>
    %dma_wait3A_51 = tpu.memref_squeeze %dma_wait3A_50 : memref<1x40x128xi32, #tpu.memory_space<hbm>> -> memref<40x128xi32, #tpu.memory_space<hbm>>
    tpu.wait_dma2 semaphore(%arg13 : memref<!tpu.dma_semaphore, #tpu.memory_space<semaphore_mem>>) src(%dma_wait3A_51 : memref<40x128xi32, #tpu.memory_space<hbm>>) dst(%arg7 : memref<40x128xi32, #tpu.memory_space<vmem>>)
    %dma_start3A_52 = arith.constant 0 : i32
    %dma_start3A_53 = arith.constant 0 : i32
    %dma_start3A_54 = tpu.memref_slice %arg6[%dma_start3A_52, %dma_start3A_53] : memref<40x128xi32, #tpu.memory_space<vmem>> -> memref<1x128xi32, #tpu.memory_space<vmem>>
    %dma_start3A_55 = tpu.memref_squeeze %dma_start3A_54 : memref<1x128xi32, #tpu.memory_space<vmem>> -> memref<128xi32, #tpu.memory_space<vmem>>
    %dma_start3A_56 = arith.constant 0 : i32
    %dma_start3A_57 = arith.constant 0 : i32
    %dma_start3A_58 = tpu.memref_slice %arg2[%dma_start3A_56, %dma_start3A_57] : memref<10000x128xf32, #tpu.memory_space<hbm>> -> memref<10000x128xf32, #tpu.memory_space<hbm>>
    tpu.enqueue_indirect_dma source(%dma_start3A_58 : memref<10000x128xf32, #tpu.memory_space<hbm>>) target(%arg8 : memref<128x128xf32, #tpu.memory_space<vmem>>) offsets(%dma_start3A_55 : memref<128xi32, #tpu.memory_space<vmem>>) semaphore(%arg12 : memref<!tpu.dma_semaphore, #tpu.memory_space<semaphore_mem>>)
    %scan3A_59 = arith.constant 0 : i32
    %scan3A_60 = arith.constant 0 : i32
    %scan3A_61 = arith.constant 20 : i32
    %scan3A_62 = arith.addi %scan3A_60, %scan3A_61 : i32
    %scan3A_63 = arith.constant 1 : i32
    %scan3A_64 = scf.for %scan3A_95 = %scan3A_60 to %scan3A_62 step %scan3A_63 iter_args(%scan3A_96 = %scan3A_59) -> (i32)  : i32 {
      %mul3A_97 = arith.constant 2 : i32
      %mul3A_98 = arith.muli %mul3A_97, %scan3A_95 : i32
      %add3A_99 = arith.constant 1 : i32
      %add3A_100 = arith.addi %mul3A_98, %add3A_99 : i32
      %dma_start3A_101 = arith.constant 0 : i32
      %dma_start3A_102 = tpu.memref_slice %arg6[%add3A_100, %dma_start3A_101] : memref<40x128xi32, #tpu.memory_space<vmem>> -> memref<1x128xi32, #tpu.memory_space<vmem>>
      %dma_start3A_103 = tpu.memref_squeeze %dma_start3A_102 : memref<1x128xi32, #tpu.memory_space<vmem>> -> memref<128xi32, #tpu.memory_space<vmem>>
      %dma_start3A_104 = arith.constant 0 : i32
      %dma_start3A_105 = arith.constant 0 : i32
      %dma_start3A_106 = tpu.memref_slice %arg2[%dma_start3A_104, %dma_start3A_105] : memref<10000x128xf32, #tpu.memory_space<hbm>> -> memref<10000x128xf32, #tpu.memory_space<hbm>>
      tpu.enqueue_indirect_dma source(%dma_start3A_106 : memref<10000x128xf32, #tpu.memory_space<hbm>>) target(%arg9 : memref<128x128xf32, #tpu.memory_space<vmem>>) offsets(%dma_start3A_103 : memref<128xi32, #tpu.memory_space<vmem>>) semaphore(%arg13 : memref<!tpu.dma_semaphore, #tpu.memory_space<semaphore_mem>>)
      %dma_wait3A_107 = arith.constant 0 : i32
      %dma_wait3A_108 = tpu.memref_slice %arg6[%mul3A_98, %dma_wait3A_107] : memref<40x128xi32, #tpu.memory_space<vmem>> -> memref<1x128xi32, #tpu.memory_space<vmem>>
      %dma_wait3A_109 = tpu.memref_squeeze %dma_wait3A_108 : memref<1x128xi32, #tpu.memory_space<vmem>> -> memref<128xi32, #tpu.memory_space<vmem>>
      %dma_wait3A_110 = arith.constant 0 : i32
      %dma_wait3A_111 = arith.constant 0 : i32
      %dma_wait3A_112 = tpu.memref_slice %arg2[%dma_wait3A_110, %dma_wait3A_111] : memref<10000x128xf32, #tpu.memory_space<hbm>> -> memref<10000x128xf32, #tpu.memory_space<hbm>>
      tpu.wait_indirect_dma semaphore(%arg12 : memref<!tpu.dma_semaphore, #tpu.memory_space<semaphore_mem>>) src(%dma_wait3A_112 : memref<10000x128xf32, #tpu.memory_space<hbm>>) dst(%arg8 : memref<128x128xf32, #tpu.memory_space<vmem>>)
      "tpu.region"() ({
        %run_scoped3A = tpu.sem_alloc : memref<!tpu.dma_semaphore, #tpu.memory_space<semaphore_mem>>
        %dma_start3A_128 = arith.constant 0 : i32
        %dma_start3A_129 = tpu.memref_slice %arg7[%mul3A_98, %dma_start3A_128] : memref<40x128xi32, #tpu.memory_space<vmem>> -> memref<1x128xi32, #tpu.memory_space<vmem>>
        %dma_start3A_130 = tpu.memref_squeeze %dma_start3A_129 : memref<1x128xi32, #tpu.memory_space<vmem>> -> memref<128xi32, #tpu.memory_space<vmem>>
        %dma_start3A_131 = arith.constant 0 : i32
        %dma_start3A_132 = arith.constant 0 : i32
        %dma_start3A_133 = tpu.memref_slice %arg11[%dma_start3A_131, %dma_start3A_132] : memref<10240x128xf32, #tpu.memory_space<vmem_shared>> -> memref<10240x128xf32, #tpu.memory_space<vmem_shared>>
        tpu.enqueue_indirect_dma source(%arg8 : memref<128x128xf32, #tpu.memory_space<vmem>>) target(%dma_start3A_133 : memref<10240x128xf32, #tpu.memory_space<vmem_shared>>) offsets(%dma_start3A_130 : memref<128xi32, #tpu.memory_space<vmem>>) semaphore(%run_scoped3A : memref<!tpu.dma_semaphore, #tpu.memory_space<semaphore_mem>>) {add = true}
        %dma_wait3A_134 = arith.constant 0 : i32
        %dma_wait3A_135 = tpu.memref_slice %arg7[%mul3A_98, %dma_wait3A_134] : memref<40x128xi32, #tpu.memory_space<vmem>> -> memref<1x128xi32, #tpu.memory_space<vmem>>
        %dma_wait3A_136 = tpu.memref_squeeze %dma_wait3A_135 : memref<1x128xi32, #tpu.memory_space<vmem>> -> memref<128xi32, #tpu.memory_space<vmem>>
        %dma_wait3A_137 = arith.constant 0 : i32
        %dma_wait3A_138 = arith.constant 0 : i32
        %dma_wait3A_139 = tpu.memref_slice %arg11[%dma_wait3A_137, %dma_wait3A_138] : memref<10240x128xf32, #tpu.memory_space<vmem_shared>> -> memref<10240x128xf32, #tpu.memory_space<vmem_shared>>
        tpu.wait_indirect_dma semaphore(%run_scoped3A : memref<!tpu.dma_semaphore, #tpu.memory_space<semaphore_mem>>) src(%arg8 : memref<128x128xf32, #tpu.memory_space<vmem>>) dst(%dma_wait3A_139 : memref<10240x128xf32, #tpu.memory_space<vmem_shared>>)
        tpu.yield
      }) : () -> ()
      %add3A_113 = arith.constant 1 : i32
      %add3A_114 = arith.addi %scan3A_95, %add3A_113 : i32
      %lt3A = arith.constant 20 : i32
      %lt3A_115 = arith.cmpi slt, %add3A_114, %lt3A : i32
      %convert_element_type3A = arith.extui %lt3A_115 : i1 to i32
      %cond3A = arith.constant 0 : i32
      %cond3A_116 = arith.cmpi ne, %convert_element_type3A, %cond3A : i32
      scf.if %cond3A_116 {
        %add3A_128 = arith.constant 2 : i32
        %add3A_129 = arith.addi %mul3A_98, %add3A_128 : i32
        %dma_start3A_130 = arith.constant 0 : i32
        %dma_start3A_131 = tpu.memref_slice %arg6[%add3A_129, %dma_start3A_130] : memref<40x128xi32, #tpu.memory_space<vmem>> -> memref<1x128xi32, #tpu.memory_space<vmem>>
        %dma_start3A_132 = tpu.memref_squeeze %dma_start3A_131 : memref<1x128xi32, #tpu.memory_space<vmem>> -> memref<128xi32, #tpu.memory_space<vmem>>
        %dma_start3A_133 = arith.constant 0 : i32
        %dma_start3A_134 = arith.constant 0 : i32
        %dma_start3A_135 = tpu.memref_slice %arg2[%dma_start3A_133, %dma_start3A_134] : memref<10000x128xf32, #tpu.memory_space<hbm>> -> memref<10000x128xf32, #tpu.memory_space<hbm>>
        tpu.enqueue_indirect_dma source(%dma_start3A_135 : memref<10000x128xf32, #tpu.memory_space<hbm>>) target(%arg8 : memref<128x128xf32, #tpu.memory_space<vmem>>) offsets(%dma_start3A_132 : memref<128xi32, #tpu.memory_space<vmem>>) semaphore(%arg12 : memref<!tpu.dma_semaphore, #tpu.memory_space<semaphore_mem>>)
      } else {
      }
      %add3A_117 = arith.constant 1 : i32
      %add3A_118 = arith.addi %mul3A_98, %add3A_117 : i32
      %dma_wait3A_119 = arith.constant 0 : i32
      %dma_wait3A_120 = tpu.memref_slice %arg6[%add3A_118, %dma_wait3A_119] : memref<40x128xi32, #tpu.memory_space<vmem>> -> memref<1x128xi32, #tpu.memory_space<vmem>>
      %dma_wait3A_121 = tpu.memref_squeeze %dma_wait3A_120 : memref<1x128xi32, #tpu.memory_space<vmem>> -> memref<128xi32, #tpu.memory_space<vmem>>
      %dma_wait3A_122 = arith.constant 0 : i32
      %dma_wait3A_123 = arith.constant 0 : i32
      %dma_wait3A_124 = tpu.memref_slice %arg2[%dma_wait3A_122, %dma_wait3A_123] : memref<10000x128xf32, #tpu.memory_space<hbm>> -> memref<10000x128xf32, #tpu.memory_space<hbm>>
      tpu.wait_indirect_dma semaphore(%arg13 : memref<!tpu.dma_semaphore, #tpu.memory_space<semaphore_mem>>) src(%dma_wait3A_124 : memref<10000x128xf32, #tpu.memory_space<hbm>>) dst(%arg9 : memref<128x128xf32, #tpu.memory_space<vmem>>)
      %add3A_125 = arith.constant 1 : i32
      %add3A_126 = arith.addi %mul3A_98, %add3A_125 : i32
      "tpu.region"() ({
        %run_scoped3A = tpu.sem_alloc : memref<!tpu.dma_semaphore, #tpu.memory_space<semaphore_mem>>
        %dma_start3A_128 = arith.constant 0 : i32
        %dma_start3A_129 = tpu.memref_slice %arg7[%add3A_126, %dma_start3A_128] : memref<40x128xi32, #tpu.memory_space<vmem>> -> memref<1x128xi32, #tpu.memory_space<vmem>>
        %dma_start3A_130 = tpu.memref_squeeze %dma_start3A_129 : memref<1x128xi32, #tpu.memory_space<vmem>> -> memref<128xi32, #tpu.memory_space<vmem>>
        %dma_start3A_131 = arith.constant 0 : i32
        %dma_start3A_132 = arith.constant 0 : i32
        %dma_start3A_133 = tpu.memref_slice %arg11[%dma_start3A_131, %dma_start3A_132] : memref<10240x128xf32, #tpu.memory_space<vmem_shared>> -> memref<10240x128xf32, #tpu.memory_space<vmem_shared>>
        tpu.enqueue_indirect_dma source(%arg9 : memref<128x128xf32, #tpu.memory_space<vmem>>) target(%dma_start3A_133 : memref<10240x128xf32, #tpu.memory_space<vmem_shared>>) offsets(%dma_start3A_130 : memref<128xi32, #tpu.memory_space<vmem>>) semaphore(%run_scoped3A : memref<!tpu.dma_semaphore, #tpu.memory_space<semaphore_mem>>) {add = true}
        %dma_wait3A_134 = arith.constant 0 : i32
        %dma_wait3A_135 = tpu.memref_slice %arg7[%add3A_126, %dma_wait3A_134] : memref<40x128xi32, #tpu.memory_space<vmem>> -> memref<1x128xi32, #tpu.memory_space<vmem>>
        %dma_wait3A_136 = tpu.memref_squeeze %dma_wait3A_135 : memref<1x128xi32, #tpu.memory_space<vmem>> -> memref<128xi32, #tpu.memory_space<vmem>>
        %dma_wait3A_137 = arith.constant 0 : i32
        %dma_wait3A_138 = arith.constant 0 : i32
        %dma_wait3A_139 = tpu.memref_slice %arg11[%dma_wait3A_137, %dma_wait3A_138] : memref<10240x128xf32, #tpu.memory_space<vmem_shared>> -> memref<10240x128xf32, #tpu.memory_space<vmem_shared>>
        tpu.wait_indirect_dma semaphore(%run_scoped3A : memref<!tpu.dma_semaphore, #tpu.memory_space<semaphore_mem>>) src(%arg9 : memref<128x128xf32, #tpu.memory_space<vmem>>) dst(%dma_wait3A_139 : memref<10240x128xf32, #tpu.memory_space<vmem_shared>>)
        tpu.yield
      }) : () -> ()
      %scan3A_127 = arith.constant 0 : i32
      scf.yield %scan3A_127 : i32
    }
    %scan3A_65 = arith.constant 20 : i32
    "tpu.region"() ({
      %run_scoped3A = tpu.sem_alloc : memref<!tpu.dma_semaphore, #tpu.memory_space<semaphore_mem>>
      %dma_start3A_95 = arith.constant 40 : i32
      %dma_start3A_96 = arith.constant 0 : i32
      %dma_start3A_97 = tpu.memref_slice %arg3[%add3A, %dma_start3A_95, %dma_start3A_96] : memref<32x80x128xi32, #tpu.memory_space<hbm>> -> memref<1x40x128xi32, #tpu.memory_space<hbm>>
      %dma_start3A_98 = tpu.memref_squeeze %dma_start3A_97 : memref<1x40x128xi32, #tpu.memory_space<hbm>> -> memref<40x128xi32, #tpu.memory_space<hbm>>
      %dma_start3A_99 = arith.constant 40 : i32
      %dma_start3A_100 = arith.constant 0 : i32
      %dma_start3A_101 = tpu.memref_slice %arg3[%add3A, %dma_start3A_99, %dma_start3A_100] : memref<32x80x128xi32, #tpu.memory_space<hbm>> -> memref<1x40x128xi32, #tpu.memory_space<hbm>>
      %dma_start3A_102 = tpu.memref_squeeze %dma_start3A_101 : memref<1x40x128xi32, #tpu.memory_space<hbm>> -> memref<40x128xi32, #tpu.memory_space<hbm>>
      tpu.enqueue_dma source(%dma_start3A_102 : memref<40x128xi32, #tpu.memory_space<hbm>>) target(%arg6 : memref<40x128xi32, #tpu.memory_space<vmem>>) target_semaphore(%run_scoped3A : memref<!tpu.dma_semaphore, #tpu.memory_space<semaphore_mem>>)
      %dma_wait3A_103 = arith.constant 40 : i32
      %dma_wait3A_104 = arith.constant 0 : i32
      %dma_wait3A_105 = tpu.memref_slice %arg3[%add3A, %dma_wait3A_103, %dma_wait3A_104] : memref<32x80x128xi32, #tpu.memory_space<hbm>> -> memref<1x40x128xi32, #tpu.memory_space<hbm>>
      %dma_wait3A_106 = tpu.memref_squeeze %dma_wait3A_105 : memref<1x40x128xi32, #tpu.memory_space<hbm>> -> memref<40x128xi32, #tpu.memory_space<hbm>>
      %dma_wait3A_107 = arith.constant 40 : i32
      %dma_wait3A_108 = arith.constant 0 : i32
      %dma_wait3A_109 = tpu.memref_slice %arg3[%add3A, %dma_wait3A_107, %dma_wait3A_108] : memref<32x80x128xi32, #tpu.memory_space<hbm>> -> memref<1x40x128xi32, #tpu.memory_space<hbm>>
      %dma_wait3A_110 = tpu.memref_squeeze %dma_wait3A_109 : memref<1x40x128xi32, #tpu.memory_space<hbm>> -> memref<40x128xi32, #tpu.memory_space<hbm>>
      tpu.wait_dma2 semaphore(%run_scoped3A : memref<!tpu.dma_semaphore, #tpu.memory_space<semaphore_mem>>) src(%dma_wait3A_110 : memref<40x128xi32, #tpu.memory_space<hbm>>) dst(%arg6 : memref<40x128xi32, #tpu.memory_space<vmem>>)
      tpu.yield
    }) : () -> ()
    "tpu.region"() ({
      %run_scoped3A = tpu.sem_alloc : memref<!tpu.dma_semaphore, #tpu.memory_space<semaphore_mem>>
      %dma_start3A_95 = arith.constant 40 : i32
      %dma_start3A_96 = arith.constant 0 : i32
      %dma_start3A_97 = tpu.memref_slice %arg4[%add3A, %dma_start3A_95, %dma_start3A_96] : memref<32x80x128xi32, #tpu.memory_space<hbm>> -> memref<1x40x128xi32, #tpu.memory_space<hbm>>
      %dma_start3A_98 = tpu.memref_squeeze %dma_start3A_97 : memref<1x40x128xi32, #tpu.memory_space<hbm>> -> memref<40x128xi32, #tpu.memory_space<hbm>>
      %dma_start3A_99 = arith.constant 40 : i32
      %dma_start3A_100 = arith.constant 0 : i32
      %dma_start3A_101 = tpu.memref_slice %arg4[%add3A, %dma_start3A_99, %dma_start3A_100] : memref<32x80x128xi32, #tpu.memory_space<hbm>> -> memref<1x40x128xi32, #tpu.memory_space<hbm>>
      %dma_start3A_102 = tpu.memref_squeeze %dma_start3A_101 : memref<1x40x128xi32, #tpu.memory_space<hbm>> -> memref<40x128xi32, #tpu.memory_space<hbm>>
      tpu.enqueue_dma source(%dma_start3A_102 : memref<40x128xi32, #tpu.memory_space<hbm>>) target(%arg7 : memref<40x128xi32, #tpu.memory_space<vmem>>) target_semaphore(%run_scoped3A : memref<!tpu.dma_semaphore, #tpu.memory_space<semaphore_mem>>)
      %dma_wait3A_103 = arith.constant 40 : i32
      %dma_wait3A_104 = arith.constant 0 : i32
      %dma_wait3A_105 = tpu.memref_slice %arg4[%add3A, %dma_wait3A_103, %dma_wait3A_104] : memref<32x80x128xi32, #tpu.memory_space<hbm>> -> memref<1x40x128xi32, #tpu.memory_space<hbm>>
      %dma_wait3A_106 = tpu.memref_squeeze %dma_wait3A_105 : memref<1x40x128xi32, #tpu.memory_space<hbm>> -> memref<40x128xi32, #tpu.memory_space<hbm>>
      %dma_wait3A_107 = arith.constant 40 : i32
      %dma_wait3A_108 = arith.constant 0 : i32
      %dma_wait3A_109 = tpu.memref_slice %arg4[%add3A, %dma_wait3A_107, %dma_wait3A_108] : memref<32x80x128xi32, #tpu.memory_space<hbm>> -> memref<1x40x128xi32, #tpu.memory_space<hbm>>
      %dma_wait3A_110 = tpu.memref_squeeze %dma_wait3A_109 : memref<1x40x128xi32, #tpu.memory_space<hbm>> -> memref<40x128xi32, #tpu.memory_space<hbm>>
      tpu.wait_dma2 semaphore(%run_scoped3A : memref<!tpu.dma_semaphore, #tpu.memory_space<semaphore_mem>>) src(%dma_wait3A_110 : memref<40x128xi32, #tpu.memory_space<hbm>>) dst(%arg7 : memref<40x128xi32, #tpu.memory_space<vmem>>)
      tpu.yield
    }) : () -> ()
    %dma_start3A_66 = arith.constant 0 : i32
    %dma_start3A_67 = arith.constant 0 : i32
    %dma_start3A_68 = tpu.memref_slice %arg6[%dma_start3A_66, %dma_start3A_67] : memref<40x128xi32, #tpu.memory_space<vmem>> -> memref<1x128xi32, #tpu.memory_space<vmem>>
    %dma_start3A_69 = tpu.memref_squeeze %dma_start3A_68 : memref<1x128xi32, #tpu.memory_space<vmem>> -> memref<128xi32, #tpu.memory_space<vmem>>
    %dma_start3A_70 = arith.constant 0 : i32
    %dma_start3A_71 = arith.constant 0 : i32
    %dma_start3A_72 = tpu.memref_slice %arg2[%dma_start3A_70, %dma_start3A_71] : memref<10000x128xf32, #tpu.memory_space<hbm>> -> memref<10000x128xf32, #tpu.memory_space<hbm>>
    tpu.enqueue_indirect_dma source(%dma_start3A_72 : memref<10000x128xf32, #tpu.memory_space<hbm>>) target(%arg8 : memref<128x128xf32, #tpu.memory_space<vmem>>) offsets(%dma_start3A_69 : memref<128xi32, #tpu.memory_space<vmem>>) semaphore(%arg12 : memref<!tpu.dma_semaphore, #tpu.memory_space<semaphore_mem>>)
    %scan3A_73 = arith.constant 0 : i32
    %scan3A_74 = arith.constant 0 : i32
    %scan3A_75 = arith.constant 20 : i32
    %scan3A_76 = arith.addi %scan3A_74, %scan3A_75 : i32
    %scan3A_77 = arith.constant 1 : i32
    %scan3A_78 = scf.for %scan3A_95 = %scan3A_74 to %scan3A_76 step %scan3A_77 iter_args(%scan3A_96 = %scan3A_73) -> (i32)  : i32 {
      %mul3A_97 = arith.constant 2 : i32
      %mul3A_98 = arith.muli %mul3A_97, %scan3A_95 : i32
      %add3A_99 = arith.constant 1 : i32
      %add3A_100 = arith.addi %mul3A_98, %add3A_99 : i32
      %dma_start3A_101 = arith.constant 0 : i32
      %dma_start3A_102 = tpu.memref_slice %arg6[%add3A_100, %dma_start3A_101] : memref<40x128xi32, #tpu.memory_space<vmem>> -> memref<1x128xi32, #tpu.memory_space<vmem>>
      %dma_start3A_103 = tpu.memref_squeeze %dma_start3A_102 : memref<1x128xi32, #tpu.memory_space<vmem>> -> memref<128xi32, #tpu.memory_space<vmem>>
      %dma_start3A_104 = arith.constant 0 : i32
      %dma_start3A_105 = arith.constant 0 : i32
      %dma_start3A_106 = tpu.memref_slice %arg2[%dma_start3A_104, %dma_start3A_105] : memref<10000x128xf32, #tpu.memory_space<hbm>> -> memref<10000x128xf32, #tpu.memory_space<hbm>>
      tpu.enqueue_indirect_dma source(%dma_start3A_106 : memref<10000x128xf32, #tpu.memory_space<hbm>>) target(%arg9 : memref<128x128xf32, #tpu.memory_space<vmem>>) offsets(%dma_start3A_103 : memref<128xi32, #tpu.memory_space<vmem>>) semaphore(%arg13 : memref<!tpu.dma_semaphore, #tpu.memory_space<semaphore_mem>>)
      %dma_wait3A_107 = arith.constant 0 : i32
      %dma_wait3A_108 = tpu.memref_slice %arg6[%mul3A_98, %dma_wait3A_107] : memref<40x128xi32, #tpu.memory_space<vmem>> -> memref<1x128xi32, #tpu.memory_space<vmem>>
      %dma_wait3A_109 = tpu.memref_squeeze %dma_wait3A_108 : memref<1x128xi32, #tpu.memory_space<vmem>> -> memref<128xi32, #tpu.memory_space<vmem>>
      %dma_wait3A_110 = arith.constant 0 : i32
      %dma_wait3A_111 = arith.constant 0 : i32
      %dma_wait3A_112 = tpu.memref_slice %arg2[%dma_wait3A_110, %dma_wait3A_111] : memref<10000x128xf32, #tpu.memory_space<hbm>> -> memref<10000x128xf32, #tpu.memory_space<hbm>>
      tpu.wait_indirect_dma semaphore(%arg12 : memref<!tpu.dma_semaphore, #tpu.memory_space<semaphore_mem>>) src(%dma_wait3A_112 : memref<10000x128xf32, #tpu.memory_space<hbm>>) dst(%arg8 : memref<128x128xf32, #tpu.memory_space<vmem>>)
      "tpu.region"() ({
        %run_scoped3A = tpu.sem_alloc : memref<!tpu.dma_semaphore, #tpu.memory_space<semaphore_mem>>
        %dma_start3A_128 = arith.constant 0 : i32
        %dma_start3A_129 = tpu.memref_slice %arg7[%mul3A_98, %dma_start3A_128] : memref<40x128xi32, #tpu.memory_space<vmem>> -> memref<1x128xi32, #tpu.memory_space<vmem>>
        %dma_start3A_130 = tpu.memref_squeeze %dma_start3A_129 : memref<1x128xi32, #tpu.memory_space<vmem>> -> memref<128xi32, #tpu.memory_space<vmem>>
        %dma_start3A_131 = arith.constant 0 : i32
        %dma_start3A_132 = arith.constant 0 : i32
        %dma_start3A_133 = tpu.memref_slice %arg11[%dma_start3A_131, %dma_start3A_132] : memref<10240x128xf32, #tpu.memory_space<vmem_shared>> -> memref<10240x128xf32, #tpu.memory_space<vmem_shared>>
        tpu.enqueue_indirect_dma source(%arg8 : memref<128x128xf32, #tpu.memory_space<vmem>>) target(%dma_start3A_133 : memref<10240x128xf32, #tpu.memory_space<vmem_shared>>) offsets(%dma_start3A_130 : memref<128xi32, #tpu.memory_space<vmem>>) semaphore(%run_scoped3A : memref<!tpu.dma_semaphore, #tpu.memory_space<semaphore_mem>>) {add = true}
        %dma_wait3A_134 = arith.constant 0 : i32
        %dma_wait3A_135 = tpu.memref_slice %arg7[%mul3A_98, %dma_wait3A_134] : memref<40x128xi32, #tpu.memory_space<vmem>> -> memref<1x128xi32, #tpu.memory_space<vmem>>
        %dma_wait3A_136 = tpu.memref_squeeze %dma_wait3A_135 : memref<1x128xi32, #tpu.memory_space<vmem>> -> memref<128xi32, #tpu.memory_space<vmem>>
        %dma_wait3A_137 = arith.constant 0 : i32
        %dma_wait3A_138 = arith.constant 0 : i32
        %dma_wait3A_139 = tpu.memref_slice %arg11[%dma_wait3A_137, %dma_wait3A_138] : memref<10240x128xf32, #tpu.memory_space<vmem_shared>> -> memref<10240x128xf32, #tpu.memory_space<vmem_shared>>
        tpu.wait_indirect_dma semaphore(%run_scoped3A : memref<!tpu.dma_semaphore, #tpu.memory_space<semaphore_mem>>) src(%arg8 : memref<128x128xf32, #tpu.memory_space<vmem>>) dst(%dma_wait3A_139 : memref<10240x128xf32, #tpu.memory_space<vmem_shared>>)
        tpu.yield
      }) : () -> ()
      %add3A_113 = arith.constant 1 : i32
      %add3A_114 = arith.addi %scan3A_95, %add3A_113 : i32
      %lt3A = arith.constant 20 : i32
      %lt3A_115 = arith.cmpi slt, %add3A_114, %lt3A : i32
      %convert_element_type3A = arith.extui %lt3A_115 : i1 to i32
      %cond3A = arith.constant 0 : i32
      %cond3A_116 = arith.cmpi ne, %convert_element_type3A, %cond3A : i32
      scf.if %cond3A_116 {
        %add3A_128 = arith.constant 2 : i32
        %add3A_129 = arith.addi %mul3A_98, %add3A_128 : i32
        %dma_start3A_130 = arith.constant 0 : i32
        %dma_start3A_131 = tpu.memref_slice %arg6[%add3A_129, %dma_start3A_130] : memref<40x128xi32, #tpu.memory_space<vmem>> -> memref<1x128xi32, #tpu.memory_space<vmem>>
        %dma_start3A_132 = tpu.memref_squeeze %dma_start3A_131 : memref<1x128xi32, #tpu.memory_space<vmem>> -> memref<128xi32, #tpu.memory_space<vmem>>
        %dma_start3A_133 = arith.constant 0 : i32
        %dma_start3A_134 = arith.constant 0 : i32
        %dma_start3A_135 = tpu.memref_slice %arg2[%dma_start3A_133, %dma_start3A_134] : memref<10000x128xf32, #tpu.memory_space<hbm>> -> memref<10000x128xf32, #tpu.memory_space<hbm>>
        tpu.enqueue_indirect_dma source(%dma_start3A_135 : memref<10000x128xf32, #tpu.memory_space<hbm>>) target(%arg8 : memref<128x128xf32, #tpu.memory_space<vmem>>) offsets(%dma_start3A_132 : memref<128xi32, #tpu.memory_space<vmem>>) semaphore(%arg12 : memref<!tpu.dma_semaphore, #tpu.memory_space<semaphore_mem>>)
      } else {
      }
      %add3A_117 = arith.constant 1 : i32
      %add3A_118 = arith.addi %mul3A_98, %add3A_117 : i32
      %dma_wait3A_119 = arith.constant 0 : i32
      %dma_wait3A_120 = tpu.memref_slice %arg6[%add3A_118, %dma_wait3A_119] : memref<40x128xi32, #tpu.memory_space<vmem>> -> memref<1x128xi32, #tpu.memory_space<vmem>>
      %dma_wait3A_121 = tpu.memref_squeeze %dma_wait3A_120 : memref<1x128xi32, #tpu.memory_space<vmem>> -> memref<128xi32, #tpu.memory_space<vmem>>
      %dma_wait3A_122 = arith.constant 0 : i32
      %dma_wait3A_123 = arith.constant 0 : i32
      %dma_wait3A_124 = tpu.memref_slice %arg2[%dma_wait3A_122, %dma_wait3A_123] : memref<10000x128xf32, #tpu.memory_space<hbm>> -> memref<10000x128xf32, #tpu.memory_space<hbm>>
      tpu.wait_indirect_dma semaphore(%arg13 : memref<!tpu.dma_semaphore, #tpu.memory_space<semaphore_mem>>) src(%dma_wait3A_124 : memref<10000x128xf32, #tpu.memory_space<hbm>>) dst(%arg9 : memref<128x128xf32, #tpu.memory_space<vmem>>)
      %add3A_125 = arith.constant 1 : i32
      %add3A_126 = arith.addi %mul3A_98, %add3A_125 : i32
      "tpu.region"() ({
        %run_scoped3A = tpu.sem_alloc : memref<!tpu.dma_semaphore, #tpu.memory_space<semaphore_mem>>
        %dma_start3A_128 = arith.constant 0 : i32
        %dma_start3A_129 = tpu.memref_slice %arg7[%add3A_126, %dma_start3A_128] : memref<40x128xi32, #tpu.memory_space<vmem>> -> memref<1x128xi32, #tpu.memory_space<vmem>>
        %dma_start3A_130 = tpu.memref_squeeze %dma_start3A_129 : memref<1x128xi32, #tpu.memory_space<vmem>> -> memref<128xi32, #tpu.memory_space<vmem>>
        %dma_start3A_131 = arith.constant 0 : i32
        %dma_start3A_132 = arith.constant 0 : i32
        %dma_start3A_133 = tpu.memref_slice %arg11[%dma_start3A_131, %dma_start3A_132] : memref<10240x128xf32, #tpu.memory_space<vmem_shared>> -> memref<10240x128xf32, #tpu.memory_space<vmem_shared>>
        tpu.enqueue_indirect_dma source(%arg9 : memref<128x128xf32, #tpu.memory_space<vmem>>) target(%dma_start3A_133 : memref<10240x128xf32, #tpu.memory_space<vmem_shared>>) offsets(%dma_start3A_130 : memref<128xi32, #tpu.memory_space<vmem>>) semaphore(%run_scoped3A : memref<!tpu.dma_semaphore, #tpu.memory_space<semaphore_mem>>) {add = true}
        %dma_wait3A_134 = arith.constant 0 : i32
        %dma_wait3A_135 = tpu.memref_slice %arg7[%add3A_126, %dma_wait3A_134] : memref<40x128xi32, #tpu.memory_space<vmem>> -> memref<1x128xi32, #tpu.memory_space<vmem>>
        %dma_wait3A_136 = tpu.memref_squeeze %dma_wait3A_135 : memref<1x128xi32, #tpu.memory_space<vmem>> -> memref<128xi32, #tpu.memory_space<vmem>>
        %dma_wait3A_137 = arith.constant 0 : i32
        %dma_wait3A_138 = arith.constant 0 : i32
        %dma_wait3A_139 = tpu.memref_slice %arg11[%dma_wait3A_137, %dma_wait3A_138] : memref<10240x128xf32, #tpu.memory_space<vmem_shared>> -> memref<10240x128xf32, #tpu.memory_space<vmem_shared>>
        tpu.wait_indirect_dma semaphore(%run_scoped3A : memref<!tpu.dma_semaphore, #tpu.memory_space<semaphore_mem>>) src(%arg9 : memref<128x128xf32, #tpu.memory_space<vmem>>) dst(%dma_wait3A_139 : memref<10240x128xf32, #tpu.memory_space<vmem_shared>>)
        tpu.yield
      }) : () -> ()
      %scan3A_127 = arith.constant 0 : i32
      scf.yield %scan3A_127 : i32
    }
    %scan3A_79 = arith.constant 20 : i32
    %barrier3A_80 = arith.constant 0 : index
    tpu.barrier barrier_id(%barrier3A_80)
    %scan3A_81 = arith.constant 0 : i32
    %scan3A_82 = arith.constant 0 : i32
    %scan3A_83 = arith.constant 20 : i32
    %scan3A_84 = arith.addi %scan3A_82, %scan3A_83 : i32
    %scan3A_85 = arith.constant 1 : i32
    %scan3A_86 = scf.for %scan3A_95 = %scan3A_82 to %scan3A_84 step %scan3A_85 iter_args(%scan3A_96 = %scan3A_81) -> (i32)  : i32 {
      %mul3A_97 = arith.constant 640 : i32
      %mul3A_98 = arith.muli %arg1, %mul3A_97 : i32
      %mul3A_99 = arith.constant 32 : i32
      %mul3A_100 = arith.muli %scan3A_95, %mul3A_99 : i32
      %add3A_101 = arith.addi %mul3A_98, %mul3A_100 : i32
      %dma_start3A_102 = arith.constant 0 : i32
      %dma_start3A_103 = tpu.memref_slice %arg5[%arg0, %add3A_101, %dma_start3A_102] : memref<2x10240x128xf32, #tpu.memory_space<hbm>> -> memref<1x32x128xf32, #tpu.memory_space<hbm>>
      %dma_start3A_104 = tpu.memref_squeeze %dma_start3A_103 : memref<1x32x128xf32, #tpu.memory_space<hbm>> -> memref<32x128xf32, #tpu.memory_space<hbm>>
      %dma_start3A_105 = arith.constant 0 : i32
      %dma_start3A_106 = tpu.memref_slice %arg11[%add3A_101, %dma_start3A_105] : memref<10240x128xf32, #tpu.memory_space<vmem_shared>> -> memref<32x128xf32, #tpu.memory_space<vmem_shared>>
      tpu.enqueue_dma source(%dma_start3A_106 : memref<32x128xf32, #tpu.memory_space<vmem_shared>>) target(%dma_start3A_104 : memref<32x128xf32, #tpu.memory_space<hbm>>) target_semaphore(%arg12 : memref<!tpu.dma_semaphore, #tpu.memory_space<semaphore_mem>>)
      %scan3A_107 = arith.constant 0 : i32
      scf.yield %scan3A_107 : i32
    }
    %scan3A_87 = arith.constant 20 : i32
    %scan3A_88 = arith.constant 0 : i32
    %scan3A_89 = arith.constant 0 : i32
    %scan3A_90 = arith.constant 20 : i32
    %scan3A_91 = arith.addi %scan3A_89, %scan3A_90 : i32
    %scan3A_92 = arith.constant 1 : i32
    %scan3A_93 = scf.for %scan3A_95 = %scan3A_89 to %scan3A_91 step %scan3A_92 iter_args(%scan3A_96 = %scan3A_88) -> (i32)  : i32 {
      %mul3A_97 = arith.constant 640 : i32
      %mul3A_98 = arith.muli %arg1, %mul3A_97 : i32
      %mul3A_99 = arith.constant 32 : i32
      %mul3A_100 = arith.muli %scan3A_95, %mul3A_99 : i32
      %add3A_101 = arith.addi %mul3A_98, %mul3A_100 : i32
      %dma_wait3A_102 = arith.constant 0 : i32
      %dma_wait3A_103 = tpu.memref_slice %arg5[%arg0, %add3A_101, %dma_wait3A_102] : memref<2x10240x128xf32, #tpu.memory_space<hbm>> -> memref<1x32x128xf32, #tpu.memory_space<hbm>>
      %dma_wait3A_104 = tpu.memref_squeeze %dma_wait3A_103 : memref<1x32x128xf32, #tpu.memory_space<hbm>> -> memref<32x128xf32, #tpu.memory_space<hbm>>
      %dma_wait3A_105 = arith.constant 0 : i32
      %dma_wait3A_106 = tpu.memref_slice %arg11[%add3A_101, %dma_wait3A_105] : memref<10240x128xf32, #tpu.memory_space<vmem_shared>> -> memref<32x128xf32, #tpu.memory_space<vmem_shared>>
      tpu.wait_dma2 semaphore(%arg12 : memref<!tpu.dma_semaphore, #tpu.memory_space<semaphore_mem>>) src(%dma_wait3A_106 : memref<32x128xf32, #tpu.memory_space<vmem_shared>>) dst(%dma_wait3A_104 : memref<32x128xf32, #tpu.memory_space<hbm>>)
      %scan3A_107 = arith.constant 0 : i32
      scf.yield %scan3A_107 : i32
    }
    %scan3A_94 = arith.constant 20 : i32
    return
  }
}

#map = affine_map<(d0, d1) -> (0, 0)>
#map1 = affine_map<(d0, d1) -> (0, 0, 0)>
module attributes {stable_mosaic.version = 14 : i64} {
  func.func @k(%arg0: i32, %arg1: i32, %arg2: memref<10000x128xf32, #tpu.memory_space<hbm>>, %arg3: memref<32x80x128xi32, #tpu.memory_space<hbm>>, %arg4: memref<32x80x128xi32, #tpu.memory_space<hbm>>, %arg5: memref<2x10240x128xf32, #tpu.memory_space<hbm>>, %arg6: memref<40x128xi32, #tpu.memory_space<vmem>>, %arg7: memref<40x128xi32, #tpu.memory_space<vmem>>, %arg8: memref<128x128xf32, #tpu.memory_space<vmem>>, %arg9: memref<128x128xf32, #tpu.memory_space<vmem>>, %arg10: memref<32x128xf32, #tpu.memory_space<vmem>>, %arg11: memref<10240x128xf32, #tpu.memory_space<vmem_shared>>, %arg12: memref<!tpu.dma_semaphore, #tpu.memory_space<semaphore_mem>>, %arg13: memref<!tpu.dma_semaphore, #tpu.memory_space<semaphore_mem>>) attributes {dimension_semantics = [#tpu.dimension_semantics<core_parallel>, #tpu.dimension_semantics<subcore_parallel>], iteration_bounds = array<i64: 2, 16>, scalar_prefetch = 0 : i64, scratch_operands = 8 : i64, tpu.core_type = #tpu.core_type<sc_vector_subcore>, window_params = [{transform_indices = #map}, {transform_indices = #map1}, {transform_indices = #map1}, {transform_indices = #map1}]} {
    %mul3A = arith.constant 16 : i32
    %mul3A_0 = arith.muli %arg0, %mul3A : i32
    %add3A = arith.addi %mul3A_0, %arg1 : i32
    %dma_start3A = arith.constant 0 : i32
    %dma_start3A_1 = arith.constant 0 : i32
    %dma_start3A_2 = tpu.memref_slice %arg3[%add3A, %dma_start3A, %dma_start3A_1] : memref<32x80x128xi32, #tpu.memory_space<hbm>> -> memref<1x40x128xi32, #tpu.memory_space<hbm>>
    %dma_start3A_3 = tpu.memref_squeeze %dma_start3A_2 : memref<1x40x128xi32, #tpu.memory_space<hbm>> -> memref<40x128xi32, #tpu.memory_space<hbm>>
    %dma_start3A_4 = arith.constant 0 : i32
    %dma_start3A_5 = arith.constant 0 : i32
    %dma_start3A_6 = tpu.memref_slice %arg3[%add3A, %dma_start3A_4, %dma_start3A_5] : memref<32x80x128xi32, #tpu.memory_space<hbm>> -> memref<1x40x128xi32, #tpu.memory_space<hbm>>
    %dma_start3A_7 = tpu.memref_squeeze %dma_start3A_6 : memref<1x40x128xi32, #tpu.memory_space<hbm>> -> memref<40x128xi32, #tpu.memory_space<hbm>>
    tpu.enqueue_dma source(%dma_start3A_7 : memref<40x128xi32, #tpu.memory_space<hbm>>) target(%arg6 : memref<40x128xi32, #tpu.memory_space<vmem>>) target_semaphore(%arg13 : memref<!tpu.dma_semaphore, #tpu.memory_space<semaphore_mem>>)
    %dma_start3A_8 = arith.constant 0 : i32
    %dma_start3A_9 = arith.constant 0 : i32
    %dma_start3A_10 = tpu.memref_slice %arg4[%add3A, %dma_start3A_8, %dma_start3A_9] : memref<32x80x128xi32, #tpu.memory_space<hbm>> -> memref<1x40x128xi32, #tpu.memory_space<hbm>>
    %dma_start3A_11 = tpu.memref_squeeze %dma_start3A_10 : memref<1x40x128xi32, #tpu.memory_space<hbm>> -> memref<40x128xi32, #tpu.memory_space<hbm>>
    %dma_start3A_12 = arith.constant 0 : i32
    %dma_start3A_13 = arith.constant 0 : i32
    %dma_start3A_14 = tpu.memref_slice %arg4[%add3A, %dma_start3A_12, %dma_start3A_13] : memref<32x80x128xi32, #tpu.memory_space<hbm>> -> memref<1x40x128xi32, #tpu.memory_space<hbm>>
    %dma_start3A_15 = tpu.memref_squeeze %dma_start3A_14 : memref<1x40x128xi32, #tpu.memory_space<hbm>> -> memref<40x128xi32, #tpu.memory_space<hbm>>
    tpu.enqueue_dma source(%dma_start3A_15 : memref<40x128xi32, #tpu.memory_space<hbm>>) target(%arg7 : memref<40x128xi32, #tpu.memory_space<vmem>>) target_semaphore(%arg13 : memref<!tpu.dma_semaphore, #tpu.memory_space<semaphore_mem>>)
    %broadcast_in_dim3A = arith.constant 0.000000e+00 : f32
    %broadcast_in_dim3A_16 = vector.broadcast %broadcast_in_dim3A : f32 to vector<16xf32>
    %scan3A = arith.constant 0 : i32
    %scan3A_17 = arith.constant 0 : i32
    %scan3A_18 = arith.constant 32 : i32
    %scan3A_19 = arith.addi %scan3A_17, %scan3A_18 : i32
    %scan3A_20 = arith.constant 1 : i32
    %scan3A_21 = scf.for %scan3A_95 = %scan3A_17 to %scan3A_19 step %scan3A_20 iter_args(%scan3A_96 = %scan3A) -> (i32)  : i32 {
      %scan3A_97 = arith.constant 0 : i32
      %scan3A_98 = arith.constant 0 : i32
      %scan3A_99 = arith.constant 8 : i32
      %scan3A_100 = arith.addi %scan3A_98, %scan3A_99 : i32
      %scan3A_101 = arith.constant 1 : i32
      %scan3A_102 = scf.for %scan3A_104 = %scan3A_98 to %scan3A_100 step %scan3A_101 iter_args(%scan3A_105 = %scan3A_97) -> (i32)  : i32 {
        %mul3A_106 = arith.constant 16 : i32
        %mul3A_107 = arith.muli %scan3A_104, %mul3A_106 : i32
        %swap3A = arith.index_cast %scan3A_95 : i32 to index
        %swap3A_108 = arith.index_cast %mul3A_107 : i32 to index
        %swap3A_109 = tpu.vector_load %arg10[%swap3A, %swap3A_108] {strides = array<i32>} : memref<32x128xf32, #tpu.memory_space<vmem>>, vector<1x16xf32>,
        %swap3A_110 = vector.shape_cast %swap3A_109 : vector<1x16xf32> to vector<16xf32>
        %swap3A_111 = vector.shape_cast %broadcast_in_dim3A_16 : vector<16xf32> to vector<1x16xf32>
        tpu.vector_store %arg10[%swap3A, %swap3A_108], %swap3A_111 {strides = array<i32>} : memref<32x128xf32, #tpu.memory_space<vmem>>, vector<1x16xf32>,
        %scan3A_112 = arith.constant 0 : i32
        scf.yield %scan3A_112 : i32
      }
      %scan3A_103 = arith.constant 8 : i32
      scf.yield %scan3A_102 : i32
    }
    %scan3A_22 = arith.constant 32 : i32
    %scan3A_23 = arith.constant 0 : i32
    %scan3A_24 = arith.constant 0 : i32
    %scan3A_25 = arith.constant 20 : i32
    %scan3A_26 = arith.addi %scan3A_24, %scan3A_25 : i32
    %scan3A_27 = arith.constant 1 : i32
    %scan3A_28 = scf.for %scan3A_95 = %scan3A_24 to %scan3A_26 step %scan3A_27 iter_args(%scan3A_96 = %scan3A_23) -> (i32)  : i32 {
      %mul3A_97 = arith.constant 640 : i32
      %mul3A_98 = arith.muli %arg1, %mul3A_97 : i32
      %mul3A_99 = arith.constant 32 : i32
      %mul3A_100 = arith.muli %scan3A_95, %mul3A_99 : i32
      %add3A_101 = arith.addi %mul3A_98, %mul3A_100 : i32
      %dma_start3A_102 = arith.constant 0 : i32
      %dma_start3A_103 = tpu.memref_slice %arg11[%add3A_101, %dma_start3A_102] : memref<10240x128xf32, #tpu.memory_space<vmem_shared>> -> memref<32x128xf32, #tpu.memory_space<vmem_shared>>
      %dma_start3A_104 = arith.constant 0 : i32
      %dma_start3A_105 = tpu.memref_slice %arg11[%add3A_101, %dma_start3A_104] : memref<10240x128xf32, #tpu.memory_space<vmem_shared>> -> memref<32x128xf32, #tpu.memory_space<vmem_shared>>
      tpu.enqueue_dma source(%arg10 : memref<32x128xf32, #tpu.memory_space<vmem>>) target(%dma_start3A_105 : memref<32x128xf32, #tpu.memory_space<vmem_shared>>) target_semaphore(%arg12 : memref<!tpu.dma_semaphore, #tpu.memory_space<semaphore_mem>>)
      %scan3A_106 = arith.constant 0 : i32
      scf.yield %scan3A_106 : i32
    }
    %scan3A_29 = arith.constant 20 : i32
    %scan3A_30 = arith.constant 0 : i32
    %scan3A_31 = arith.constant 0 : i32
    %scan3A_32 = arith.constant 20 : i32
    %scan3A_33 = arith.addi %scan3A_31, %scan3A_32 : i32
    %scan3A_34 = arith.constant 1 : i32
    %scan3A_35 = scf.for %scan3A_95 = %scan3A_31 to %scan3A_33 step %scan3A_34 iter_args(%scan3A_96 = %scan3A_30) -> (i32)  : i32 {
      %mul3A_97 = arith.constant 640 : i32
      %mul3A_98 = arith.muli %arg1, %mul3A_97 : i32
      %mul3A_99 = arith.constant 32 : i32
      %mul3A_100 = arith.muli %scan3A_95, %mul3A_99 : i32
      %add3A_101 = arith.addi %mul3A_98, %mul3A_100 : i32
      %dma_wait3A_102 = arith.constant 0 : i32
      %dma_wait3A_103 = tpu.memref_slice %arg11[%add3A_101, %dma_wait3A_102] : memref<10240x128xf32, #tpu.memory_space<vmem_shared>> -> memref<32x128xf32, #tpu.memory_space<vmem_shared>>
      %dma_wait3A_104 = arith.constant 0 : i32
      %dma_wait3A_105 = tpu.memref_slice %arg11[%add3A_101, %dma_wait3A_104] : memref<10240x128xf32, #tpu.memory_space<vmem_shared>> -> memref<32x128xf32, #tpu.memory_space<vmem_shared>>
      tpu.wait_dma2 semaphore(%arg12 : memref<!tpu.dma_semaphore, #tpu.memory_space<semaphore_mem>>) src(%arg10 : memref<32x128xf32, #tpu.memory_space<vmem>>) dst(%dma_wait3A_105 : memref<32x128xf32, #tpu.memory_space<vmem_shared>>)
      %scan3A_106 = arith.constant 0 : i32
      scf.yield %scan3A_106 : i32
    }
    %scan3A_36 = arith.constant 20 : i32
    %barrier3A = arith.constant 0 : index
    tpu.barrier barrier_id(%barrier3A)
    %dma_wait3A = arith.constant 0 : i32
    %dma_wait3A_37 = arith.constant 0 : i32
    %dma_wait3A_38 = tpu.memref_slice %arg3[%add3A, %dma_wait3A, %dma_wait3A_37] : memref<32x80x128xi32, #tpu.memory_space<hbm>> -> memref<1x40x128xi32, #tpu.memory_space<hbm>>
    %dma_wait3A_39 = tpu.memref_squeeze %dma_wait3A_38 : memref<1x40x128xi32, #tpu.memory_space<hbm>> -> memref<40x128xi32, #tpu.memory_space<hbm>>
    %dma_wait3A_40 = arith.constant 0 : i32
    %dma_wait3A_41 = arith.constant 0 : i32
    %dma_wait3A_42 = tpu.memref_slice %arg3[%add3A, %dma_wait3A_40, %dma_wait3A_41] : memref<32x80x128xi32, #tpu.memory_space<hbm>> -> memref<1x40x128xi32, #tpu.memory_space<hbm>>
    %dma_wait3A_43 = tpu.memref_squeeze %dma_wait3A_42 : memref<1x40x128xi32, #tpu.memory_space<hbm>> -> memref<40x128xi32, #tpu.memory_space<hbm>>
    tpu.wait_dma2 semaphore(%arg13 : memref<!tpu.dma_semaphore, #tpu.memory_space<semaphore_mem>>) src(%dma_wait3A_43 : memref<40x128xi32, #tpu.memory_space<hbm>>) dst(%arg6 : memref<40x128xi32, #tpu.memory_space<vmem>>)
    %dma_wait3A_44 = arith.constant 0 : i32
    %dma_wait3A_45 = arith.constant 0 : i32
    %dma_wait3A_46 = tpu.memref_slice %arg4[%add3A, %dma_wait3A_44, %dma_wait3A_45] : memref<32x80x128xi32, #tpu.memory_space<hbm>> -> memref<1x40x128xi32, #tpu.memory_space<hbm>>
    %dma_wait3A_47 = tpu.memref_squeeze %dma_wait3A_46 : memref<1x40x128xi32, #tpu.memory_space<hbm>> -> memref<40x128xi32, #tpu.memory_space<hbm>>
    %dma_wait3A_48 = arith.constant 0 : i32
    %dma_wait3A_49 = arith.constant 0 : i32
    %dma_wait3A_50 = tpu.memref_slice %arg4[%add3A, %dma_wait3A_48, %dma_wait3A_49] : memref<32x80x128xi32, #tpu.memory_space<hbm>> -> memref<1x40x128xi32, #tpu.memory_space<hbm>>
    %dma_wait3A_51 = tpu.memref_squeeze %dma_wait3A_50 : memref<1x40x128xi32, #tpu.memory_space<hbm>> -> memref<40x128xi32, #tpu.memory_space<hbm>>
    tpu.wait_dma2 semaphore(%arg13 : memref<!tpu.dma_semaphore, #tpu.memory_space<semaphore_mem>>) src(%dma_wait3A_51 : memref<40x128xi32, #tpu.memory_space<hbm>>) dst(%arg7 : memref<40x128xi32, #tpu.memory_space<vmem>>)
    %dma_start3A_52 = arith.constant 0 : i32
    %dma_start3A_53 = arith.constant 0 : i32
    %dma_start3A_54 = tpu.memref_slice %arg6[%dma_start3A_52, %dma_start3A_53] : memref<40x128xi32, #tpu.memory_space<vmem>> -> memref<1x128xi32, #tpu.memory_space<vmem>>
    %dma_start3A_55 = tpu.memref_squeeze %dma_start3A_54 : memref<1x128xi32, #tpu.memory_space<vmem>> -> memref<128xi32, #tpu.memory_space<vmem>>
    %dma_start3A_56 = arith.constant 0 : i32
    %dma_start3A_57 = arith.constant 0 : i32
    %dma_start3A_58 = tpu.memref_slice %arg2[%dma_start3A_56, %dma_start3A_57] : memref<10000x128xf32, #tpu.memory_space<hbm>> -> memref<10000x128xf32, #tpu.memory_space<hbm>>
    tpu.enqueue_indirect_dma source(%dma_start3A_58 : memref<10000x128xf32, #tpu.memory_space<hbm>>) target(%arg8 : memref<128x128xf32, #tpu.memory_space<vmem>>) offsets(%dma_start3A_55 : memref<128xi32, #tpu.memory_space<vmem>>) semaphore(%arg12 : memref<!tpu.dma_semaphore, #tpu.memory_space<semaphore_mem>>)
    %scan3A_59 = arith.constant 0 : i32
    %scan3A_60 = arith.constant 0 : i32
    %scan3A_61 = arith.constant 20 : i32
    %scan3A_62 = arith.addi %scan3A_60, %scan3A_61 : i32
    %scan3A_63 = arith.constant 1 : i32
    %scan3A_64 = scf.for %scan3A_95 = %scan3A_60 to %scan3A_62 step %scan3A_63 iter_args(%scan3A_96 = %scan3A_59) -> (i32)  : i32 {
      %mul3A_97 = arith.constant 2 : i32
      %mul3A_98 = arith.muli %mul3A_97, %scan3A_95 : i32
      %add3A_99 = arith.constant 1 : i32
      %add3A_100 = arith.addi %mul3A_98, %add3A_99 : i32
      %dma_start3A_101 = arith.constant 0 : i32
      %dma_start3A_102 = tpu.memref_slice %arg6[%add3A_100, %dma_start3A_101] : memref<40x128xi32, #tpu.memory_space<vmem>> -> memref<1x128xi32, #tpu.memory_space<vmem>>
      %dma_start3A_103 = tpu.memref_squeeze %dma_start3A_102 : memref<1x128xi32, #tpu.memory_space<vmem>> -> memref<128xi32, #tpu.memory_space<vmem>>
      %dma_start3A_104 = arith.constant 0 : i32
      %dma_start3A_105 = arith.constant 0 : i32
      %dma_start3A_106 = tpu.memref_slice %arg2[%dma_start3A_104, %dma_start3A_105] : memref<10000x128xf32, #tpu.memory_space<hbm>> -> memref<10000x128xf32, #tpu.memory_space<hbm>>
      tpu.enqueue_indirect_dma source(%dma_start3A_106 : memref<10000x128xf32, #tpu.memory_space<hbm>>) target(%arg9 : memref<128x128xf32, #tpu.memory_space<vmem>>) offsets(%dma_start3A_103 : memref<128xi32, #tpu.memory_space<vmem>>) semaphore(%arg13 : memref<!tpu.dma_semaphore, #tpu.memory_space<semaphore_mem>>)
      %dma_wait3A_107 = arith.constant 0 : i32
      %dma_wait3A_108 = tpu.memref_slice %arg6[%mul3A_98, %dma_wait3A_107] : memref<40x128xi32, #tpu.memory_space<vmem>> -> memref<1x128xi32, #tpu.memory_space<vmem>>
      %dma_wait3A_109 = tpu.memref_squeeze %dma_wait3A_108 : memref<1x128xi32, #tpu.memory_space<vmem>> -> memref<128xi32, #tpu.memory_space<vmem>>
      %dma_wait3A_110 = arith.constant 0 : i32
      %dma_wait3A_111 = arith.constant 0 : i32
      %dma_wait3A_112 = tpu.memref_slice %arg2[%dma_wait3A_110, %dma_wait3A_111] : memref<10000x128xf32, #tpu.memory_space<hbm>> -> memref<10000x128xf32, #tpu.memory_space<hbm>>
      tpu.wait_indirect_dma semaphore(%arg12 : memref<!tpu.dma_semaphore, #tpu.memory_space<semaphore_mem>>) src(%dma_wait3A_112 : memref<10000x128xf32, #tpu.memory_space<hbm>>) dst(%arg8 : memref<128x128xf32, #tpu.memory_space<vmem>>)
      "tpu.region"() ({
        %run_scoped3A = tpu.sem_alloc : memref<!tpu.dma_semaphore, #tpu.memory_space<semaphore_mem>>
        %dma_start3A_128 = arith.constant 0 : i32
        %dma_start3A_129 = tpu.memref_slice %arg7[%mul3A_98, %dma_start3A_128] : memref<40x128xi32, #tpu.memory_space<vmem>> -> memref<1x128xi32, #tpu.memory_space<vmem>>
        %dma_start3A_130 = tpu.memref_squeeze %dma_start3A_129 : memref<1x128xi32, #tpu.memory_space<vmem>> -> memref<128xi32, #tpu.memory_space<vmem>>
        %dma_start3A_131 = arith.constant 0 : i32
        %dma_start3A_132 = arith.constant 0 : i32
        %dma_start3A_133 = tpu.memref_slice %arg11[%dma_start3A_131, %dma_start3A_132] : memref<10240x128xf32, #tpu.memory_space<vmem_shared>> -> memref<10240x128xf32, #tpu.memory_space<vmem_shared>>
        tpu.enqueue_indirect_dma source(%arg8 : memref<128x128xf32, #tpu.memory_space<vmem>>) target(%dma_start3A_133 : memref<10240x128xf32, #tpu.memory_space<vmem_shared>>) offsets(%dma_start3A_130 : memref<128xi32, #tpu.memory_space<vmem>>) semaphore(%run_scoped3A : memref<!tpu.dma_semaphore, #tpu.memory_space<semaphore_mem>>) {add = true}
        %dma_wait3A_134 = arith.constant 0 : i32
        %dma_wait3A_135 = tpu.memref_slice %arg7[%mul3A_98, %dma_wait3A_134] : memref<40x128xi32, #tpu.memory_space<vmem>> -> memref<1x128xi32, #tpu.memory_space<vmem>>
        %dma_wait3A_136 = tpu.memref_squeeze %dma_wait3A_135 : memref<1x128xi32, #tpu.memory_space<vmem>> -> memref<128xi32, #tpu.memory_space<vmem>>
        %dma_wait3A_137 = arith.constant 0 : i32
        %dma_wait3A_138 = arith.constant 0 : i32
        %dma_wait3A_139 = tpu.memref_slice %arg11[%dma_wait3A_137, %dma_wait3A_138] : memref<10240x128xf32, #tpu.memory_space<vmem_shared>> -> memref<10240x128xf32, #tpu.memory_space<vmem_shared>>
        tpu.wait_indirect_dma semaphore(%run_scoped3A : memref<!tpu.dma_semaphore, #tpu.memory_space<semaphore_mem>>) src(%arg8 : memref<128x128xf32, #tpu.memory_space<vmem>>) dst(%dma_wait3A_139 : memref<10240x128xf32, #tpu.memory_space<vmem_shared>>)
        tpu.yield
      }) : () -> ()
      %add3A_113 = arith.constant 1 : i32
      %add3A_114 = arith.addi %scan3A_95, %add3A_113 : i32
      %lt3A = arith.constant 20 : i32
      %lt3A_115 = arith.cmpi slt, %add3A_114, %lt3A : i32
      %convert_element_type3A = arith.extui %lt3A_115 : i1 to i32
      %cond3A = arith.constant 0 : i32
      %cond3A_116 = arith.cmpi ne, %convert_element_type3A, %cond3A : i32
      scf.if %cond3A_116 {
        %add3A_128 = arith.constant 2 : i32
        %add3A_129 = arith.addi %mul3A_98, %add3A_128 : i32
        %dma_start3A_130 = arith.constant 0 : i32
        %dma_start3A_131 = tpu.memref_slice %arg6[%add3A_129, %dma_start3A_130] : memref<40x128xi32, #tpu.memory_space<vmem>> -> memref<1x128xi32, #tpu.memory_space<vmem>>
        %dma_start3A_132 = tpu.memref_squeeze %dma_start3A_131 : memref<1x128xi32, #tpu.memory_space<vmem>> -> memref<128xi32, #tpu.memory_space<vmem>>
        %dma_start3A_133 = arith.constant 0 : i32
        %dma_start3A_134 = arith.constant 0 : i32
        %dma_start3A_135 = tpu.memref_slice %arg2[%dma_start3A_133, %dma_start3A_134] : memref<10000x128xf32, #tpu.memory_space<hbm>> -> memref<10000x128xf32, #tpu.memory_space<hbm>>
        tpu.enqueue_indirect_dma source(%dma_start3A_135 : memref<10000x128xf32, #tpu.memory_space<hbm>>) target(%arg8 : memref<128x128xf32, #tpu.memory_space<vmem>>) offsets(%dma_start3A_132 : memref<128xi32, #tpu.memory_space<vmem>>) semaphore(%arg12 : memref<!tpu.dma_semaphore, #tpu.memory_space<semaphore_mem>>)
      } else {
      }
      %add3A_117 = arith.constant 1 : i32
      %add3A_118 = arith.addi %mul3A_98, %add3A_117 : i32
      %dma_wait3A_119 = arith.constant 0 : i32
      %dma_wait3A_120 = tpu.memref_slice %arg6[%add3A_118, %dma_wait3A_119] : memref<40x128xi32, #tpu.memory_space<vmem>> -> memref<1x128xi32, #tpu.memory_space<vmem>>
      %dma_wait3A_121 = tpu.memref_squeeze %dma_wait3A_120 : memref<1x128xi32, #tpu.memory_space<vmem>> -> memref<128xi32, #tpu.memory_space<vmem>>
      %dma_wait3A_122 = arith.constant 0 : i32
      %dma_wait3A_123 = arith.constant 0 : i32
      %dma_wait3A_124 = tpu.memref_slice %arg2[%dma_wait3A_122, %dma_wait3A_123] : memref<10000x128xf32, #tpu.memory_space<hbm>> -> memref<10000x128xf32, #tpu.memory_space<hbm>>
      tpu.wait_indirect_dma semaphore(%arg13 : memref<!tpu.dma_semaphore, #tpu.memory_space<semaphore_mem>>) src(%dma_wait3A_124 : memref<10000x128xf32, #tpu.memory_space<hbm>>) dst(%arg9 : memref<128x128xf32, #tpu.memory_space<vmem>>)
      %add3A_125 = arith.constant 1 : i32
      %add3A_126 = arith.addi %mul3A_98, %add3A_125 : i32
      "tpu.region"() ({
        %run_scoped3A = tpu.sem_alloc : memref<!tpu.dma_semaphore, #tpu.memory_space<semaphore_mem>>
        %dma_start3A_128 = arith.constant 0 : i32
        %dma_start3A_129 = tpu.memref_slice %arg7[%add3A_126, %dma_start3A_128] : memref<40x128xi32, #tpu.memory_space<vmem>> -> memref<1x128xi32, #tpu.memory_space<vmem>>
        %dma_start3A_130 = tpu.memref_squeeze %dma_start3A_129 : memref<1x128xi32, #tpu.memory_space<vmem>> -> memref<128xi32, #tpu.memory_space<vmem>>
        %dma_start3A_131 = arith.constant 0 : i32
        %dma_start3A_132 = arith.constant 0 : i32
        %dma_start3A_133 = tpu.memref_slice %arg11[%dma_start3A_131, %dma_start3A_132] : memref<10240x128xf32, #tpu.memory_space<vmem_shared>> -> memref<10240x128xf32, #tpu.memory_space<vmem_shared>>
        tpu.enqueue_indirect_dma source(%arg9 : memref<128x128xf32, #tpu.memory_space<vmem>>) target(%dma_start3A_133 : memref<10240x128xf32, #tpu.memory_space<vmem_shared>>) offsets(%dma_start3A_130 : memref<128xi32, #tpu.memory_space<vmem>>) semaphore(%run_scoped3A : memref<!tpu.dma_semaphore, #tpu.memory_space<semaphore_mem>>) {add = true}
        %dma_wait3A_134 = arith.constant 0 : i32
        %dma_wait3A_135 = tpu.memref_slice %arg7[%add3A_126, %dma_wait3A_134] : memref<40x128xi32, #tpu.memory_space<vmem>> -> memref<1x128xi32, #tpu.memory_space<vmem>>
        %dma_wait3A_136 = tpu.memref_squeeze %dma_wait3A_135 : memref<1x128xi32, #tpu.memory_space<vmem>> -> memref<128xi32, #tpu.memory_space<vmem>>
        %dma_wait3A_137 = arith.constant 0 : i32
        %dma_wait3A_138 = arith.constant 0 : i32
        %dma_wait3A_139 = tpu.memref_slice %arg11[%dma_wait3A_137, %dma_wait3A_138] : memref<10240x128xf32, #tpu.memory_space<vmem_shared>> -> memref<10240x128xf32, #tpu.memory_space<vmem_shared>>
        tpu.wait_indirect_dma semaphore(%run_scoped3A : memref<!tpu.dma_semaphore, #tpu.memory_space<semaphore_mem>>) src(%arg9 : memref<128x128xf32, #tpu.memory_space<vmem>>) dst(%dma_wait3A_139 : memref<10240x128xf32, #tpu.memory_space<vmem_shared>>)
        tpu.yield
      }) : () -> ()
      %scan3A_127 = arith.constant 0 : i32
      scf.yield %scan3A_127 : i32
    }
    %scan3A_65 = arith.constant 20 : i32
    "tpu.region"() ({
      %run_scoped3A = tpu.sem_alloc : memref<!tpu.dma_semaphore, #tpu.memory_space<semaphore_mem>>
      %dma_start3A_95 = arith.constant 40 : i32
      %dma_start3A_96 = arith.constant 0 : i32
      %dma_start3A_97 = tpu.memref_slice %arg3[%add3A, %dma_start3A_95, %dma_start3A_96] : memref<32x80x128xi32, #tpu.memory_space<hbm>> -> memref<1x40x128xi32, #tpu.memory_space<hbm>>
      %dma_start3A_98 = tpu.memref_squeeze %dma_start3A_97 : memref<1x40x128xi32, #tpu.memory_space<hbm>> -> memref<40x128xi32, #tpu.memory_space<hbm>>
      %dma_start3A_99 = arith.constant 40 : i32
      %dma_start3A_100 = arith.constant 0 : i32
      %dma_start3A_101 = tpu.memref_slice %arg3[%add3A, %dma_start3A_99, %dma_start3A_100] : memref<32x80x128xi32, #tpu.memory_space<hbm>> -> memref<1x40x128xi32, #tpu.memory_space<hbm>>
      %dma_start3A_102 = tpu.memref_squeeze %dma_start3A_101 : memref<1x40x128xi32, #tpu.memory_space<hbm>> -> memref<40x128xi32, #tpu.memory_space<hbm>>
      tpu.enqueue_dma source(%dma_start3A_102 : memref<40x128xi32, #tpu.memory_space<hbm>>) target(%arg6 : memref<40x128xi32, #tpu.memory_space<vmem>>) target_semaphore(%run_scoped3A : memref<!tpu.dma_semaphore, #tpu.memory_space<semaphore_mem>>)
      %dma_wait3A_103 = arith.constant 40 : i32
      %dma_wait3A_104 = arith.constant 0 : i32
      %dma_wait3A_105 = tpu.memref_slice %arg3[%add3A, %dma_wait3A_103, %dma_wait3A_104] : memref<32x80x128xi32, #tpu.memory_space<hbm>> -> memref<1x40x128xi32, #tpu.memory_space<hbm>>
      %dma_wait3A_106 = tpu.memref_squeeze %dma_wait3A_105 : memref<1x40x128xi32, #tpu.memory_space<hbm>> -> memref<40x128xi32, #tpu.memory_space<hbm>>
      %dma_wait3A_107 = arith.constant 40 : i32
      %dma_wait3A_108 = arith.constant 0 : i32
      %dma_wait3A_109 = tpu.memref_slice %arg3[%add3A, %dma_wait3A_107, %dma_wait3A_108] : memref<32x80x128xi32, #tpu.memory_space<hbm>> -> memref<1x40x128xi32, #tpu.memory_space<hbm>>
      %dma_wait3A_110 = tpu.memref_squeeze %dma_wait3A_109 : memref<1x40x128xi32, #tpu.memory_space<hbm>> -> memref<40x128xi32, #tpu.memory_space<hbm>>
      tpu.wait_dma2 semaphore(%run_scoped3A : memref<!tpu.dma_semaphore, #tpu.memory_space<semaphore_mem>>) src(%dma_wait3A_110 : memref<40x128xi32, #tpu.memory_space<hbm>>) dst(%arg6 : memref<40x128xi32, #tpu.memory_space<vmem>>)
      tpu.yield
    }) : () -> ()
    "tpu.region"() ({
      %run_scoped3A = tpu.sem_alloc : memref<!tpu.dma_semaphore, #tpu.memory_space<semaphore_mem>>
      %dma_start3A_95 = arith.constant 40 : i32
      %dma_start3A_96 = arith.constant 0 : i32
      %dma_start3A_97 = tpu.memref_slice %arg4[%add3A, %dma_start3A_95, %dma_start3A_96] : memref<32x80x128xi32, #tpu.memory_space<hbm>> -> memref<1x40x128xi32, #tpu.memory_space<hbm>>
      %dma_start3A_98 = tpu.memref_squeeze %dma_start3A_97 : memref<1x40x128xi32, #tpu.memory_space<hbm>> -> memref<40x128xi32, #tpu.memory_space<hbm>>
      %dma_start3A_99 = arith.constant 40 : i32
      %dma_start3A_100 = arith.constant 0 : i32
      %dma_start3A_101 = tpu.memref_slice %arg4[%add3A, %dma_start3A_99, %dma_start3A_100] : memref<32x80x128xi32, #tpu.memory_space<hbm>> -> memref<1x40x128xi32, #tpu.memory_space<hbm>>
      %dma_start3A_102 = tpu.memref_squeeze %dma_start3A_101 : memref<1x40x128xi32, #tpu.memory_space<hbm>> -> memref<40x128xi32, #tpu.memory_space<hbm>>
      tpu.enqueue_dma source(%dma_start3A_102 : memref<40x128xi32, #tpu.memory_space<hbm>>) target(%arg7 : memref<40x128xi32, #tpu.memory_space<vmem>>) target_semaphore(%run_scoped3A : memref<!tpu.dma_semaphore, #tpu.memory_space<semaphore_mem>>)
      %dma_wait3A_103 = arith.constant 40 : i32
      %dma_wait3A_104 = arith.constant 0 : i32
      %dma_wait3A_105 = tpu.memref_slice %arg4[%add3A, %dma_wait3A_103, %dma_wait3A_104] : memref<32x80x128xi32, #tpu.memory_space<hbm>> -> memref<1x40x128xi32, #tpu.memory_space<hbm>>
      %dma_wait3A_106 = tpu.memref_squeeze %dma_wait3A_105 : memref<1x40x128xi32, #tpu.memory_space<hbm>> -> memref<40x128xi32, #tpu.memory_space<hbm>>
      %dma_wait3A_107 = arith.constant 40 : i32
      %dma_wait3A_108 = arith.constant 0 : i32
      %dma_wait3A_109 = tpu.memref_slice %arg4[%add3A, %dma_wait3A_107, %dma_wait3A_108] : memref<32x80x128xi32, #tpu.memory_space<hbm>> -> memref<1x40x128xi32, #tpu.memory_space<hbm>>
      %dma_wait3A_110 = tpu.memref_squeeze %dma_wait3A_109 : memref<1x40x128xi32, #tpu.memory_space<hbm>> -> memref<40x128xi32, #tpu.memory_space<hbm>>
      tpu.wait_dma2 semaphore(%run_scoped3A : memref<!tpu.dma_semaphore, #tpu.memory_space<semaphore_mem>>) src(%dma_wait3A_110 : memref<40x128xi32, #tpu.memory_space<hbm>>) dst(%arg7 : memref<40x128xi32, #tpu.memory_space<vmem>>)
      tpu.yield
    }) : () -> ()
    %dma_start3A_66 = arith.constant 0 : i32
    %dma_start3A_67 = arith.constant 0 : i32
    %dma_start3A_68 = tpu.memref_slice %arg6[%dma_start3A_66, %dma_start3A_67] : memref<40x128xi32, #tpu.memory_space<vmem>> -> memref<1x128xi32, #tpu.memory_space<vmem>>
    %dma_start3A_69 = tpu.memref_squeeze %dma_start3A_68 : memref<1x128xi32, #tpu.memory_space<vmem>> -> memref<128xi32, #tpu.memory_space<vmem>>
    %dma_start3A_70 = arith.constant 0 : i32
    %dma_start3A_71 = arith.constant 0 : i32
    %dma_start3A_72 = tpu.memref_slice %arg2[%dma_start3A_70, %dma_start3A_71] : memref<10000x128xf32, #tpu.memory_space<hbm>> -> memref<10000x128xf32, #tpu.memory_space<hbm>>
    tpu.enqueue_indirect_dma source(%dma_start3A_72 : memref<10000x128xf32, #tpu.memory_space<hbm>>) target(%arg8 : memref<128x128xf32, #tpu.memory_space<vmem>>) offsets(%dma_start3A_69 : memref<128xi32, #tpu.memory_space<vmem>>) semaphore(%arg12 : memref<!tpu.dma_semaphore, #tpu.memory_space<semaphore_mem>>)
    %scan3A_73 = arith.constant 0 : i32
    %scan3A_74 = arith.constant 0 : i32
    %scan3A_75 = arith.constant 20 : i32
    %scan3A_76 = arith.addi %scan3A_74, %scan3A_75 : i32
    %scan3A_77 = arith.constant 1 : i32
    %scan3A_78 = scf.for %scan3A_95 = %scan3A_74 to %scan3A_76 step %scan3A_77 iter_args(%scan3A_96 = %scan3A_73) -> (i32)  : i32 {
      %mul3A_97 = arith.constant 2 : i32
      %mul3A_98 = arith.muli %mul3A_97, %scan3A_95 : i32
      %add3A_99 = arith.constant 1 : i32
      %add3A_100 = arith.addi %mul3A_98, %add3A_99 : i32
      %dma_start3A_101 = arith.constant 0 : i32
      %dma_start3A_102 = tpu.memref_slice %arg6[%add3A_100, %dma_start3A_101] : memref<40x128xi32, #tpu.memory_space<vmem>> -> memref<1x128xi32, #tpu.memory_space<vmem>>
      %dma_start3A_103 = tpu.memref_squeeze %dma_start3A_102 : memref<1x128xi32, #tpu.memory_space<vmem>> -> memref<128xi32, #tpu.memory_space<vmem>>
      %dma_start3A_104 = arith.constant 0 : i32
      %dma_start3A_105 = arith.constant 0 : i32
      %dma_start3A_106 = tpu.memref_slice %arg2[%dma_start3A_104, %dma_start3A_105] : memref<10000x128xf32, #tpu.memory_space<hbm>> -> memref<10000x128xf32, #tpu.memory_space<hbm>>
      tpu.enqueue_indirect_dma source(%dma_start3A_106 : memref<10000x128xf32, #tpu.memory_space<hbm>>) target(%arg9 : memref<128x128xf32, #tpu.memory_space<vmem>>) offsets(%dma_start3A_103 : memref<128xi32, #tpu.memory_space<vmem>>) semaphore(%arg13 : memref<!tpu.dma_semaphore, #tpu.memory_space<semaphore_mem>>)
      %dma_wait3A_107 = arith.constant 0 : i32
      %dma_wait3A_108 = tpu.memref_slice %arg6[%mul3A_98, %dma_wait3A_107] : memref<40x128xi32, #tpu.memory_space<vmem>> -> memref<1x128xi32, #tpu.memory_space<vmem>>
      %dma_wait3A_109 = tpu.memref_squeeze %dma_wait3A_108 : memref<1x128xi32, #tpu.memory_space<vmem>> -> memref<128xi32, #tpu.memory_space<vmem>>
      %dma_wait3A_110 = arith.constant 0 : i32
      %dma_wait3A_111 = arith.constant 0 : i32
      %dma_wait3A_112 = tpu.memref_slice %arg2[%dma_wait3A_110, %dma_wait3A_111] : memref<10000x128xf32, #tpu.memory_space<hbm>> -> memref<10000x128xf32, #tpu.memory_space<hbm>>
      tpu.wait_indirect_dma semaphore(%arg12 : memref<!tpu.dma_semaphore, #tpu.memory_space<semaphore_mem>>) src(%dma_wait3A_112 : memref<10000x128xf32, #tpu.memory_space<hbm>>) dst(%arg8 : memref<128x128xf32, #tpu.memory_space<vmem>>)
      "tpu.region"() ({
        %run_scoped3A = tpu.sem_alloc : memref<!tpu.dma_semaphore, #tpu.memory_space<semaphore_mem>>
        %dma_start3A_128 = arith.constant 0 : i32
        %dma_start3A_129 = tpu.memref_slice %arg7[%mul3A_98, %dma_start3A_128] : memref<40x128xi32, #tpu.memory_space<vmem>> -> memref<1x128xi32, #tpu.memory_space<vmem>>
        %dma_start3A_130 = tpu.memref_squeeze %dma_start3A_129 : memref<1x128xi32, #tpu.memory_space<vmem>> -> memref<128xi32, #tpu.memory_space<vmem>>
        %dma_start3A_131 = arith.constant 0 : i32
        %dma_start3A_132 = arith.constant 0 : i32
        %dma_start3A_133 = tpu.memref_slice %arg11[%dma_start3A_131, %dma_start3A_132] : memref<10240x128xf32, #tpu.memory_space<vmem_shared>> -> memref<10240x128xf32, #tpu.memory_space<vmem_shared>>
        tpu.enqueue_indirect_dma source(%arg8 : memref<128x128xf32, #tpu.memory_space<vmem>>) target(%dma_start3A_133 : memref<10240x128xf32, #tpu.memory_space<vmem_shared>>) offsets(%dma_start3A_130 : memref<128xi32, #tpu.memory_space<vmem>>) semaphore(%run_scoped3A : memref<!tpu.dma_semaphore, #tpu.memory_space<semaphore_mem>>) {add = true}
        %dma_wait3A_134 = arith.constant 0 : i32
        %dma_wait3A_135 = tpu.memref_slice %arg7[%mul3A_98, %dma_wait3A_134] : memref<40x128xi32, #tpu.memory_space<vmem>> -> memref<1x128xi32, #tpu.memory_space<vmem>>
        %dma_wait3A_136 = tpu.memref_squeeze %dma_wait3A_135 : memref<1x128xi32, #tpu.memory_space<vmem>> -> memref<128xi32, #tpu.memory_space<vmem>>
        %dma_wait3A_137 = arith.constant 0 : i32
        %dma_wait3A_138 = arith.constant 0 : i32
        %dma_wait3A_139 = tpu.memref_slice %arg11[%dma_wait3A_137, %dma_wait3A_138] : memref<10240x128xf32, #tpu.memory_space<vmem_shared>> -> memref<10240x128xf32, #tpu.memory_space<vmem_shared>>
        tpu.wait_indirect_dma semaphore(%run_scoped3A : memref<!tpu.dma_semaphore, #tpu.memory_space<semaphore_mem>>) src(%arg8 : memref<128x128xf32, #tpu.memory_space<vmem>>) dst(%dma_wait3A_139 : memref<10240x128xf32, #tpu.memory_space<vmem_shared>>)
        tpu.yield
      }) : () -> ()
      %add3A_113 = arith.constant 1 : i32
      %add3A_114 = arith.addi %scan3A_95, %add3A_113 : i32
      %lt3A = arith.constant 20 : i32
      %lt3A_115 = arith.cmpi slt, %add3A_114, %lt3A : i32
      %convert_element_type3A = arith.extui %lt3A_115 : i1 to i32
      %cond3A = arith.constant 0 : i32
      %cond3A_116 = arith.cmpi ne, %convert_element_type3A, %cond3A : i32
      scf.if %cond3A_116 {
        %add3A_128 = arith.constant 2 : i32
        %add3A_129 = arith.addi %mul3A_98, %add3A_128 : i32
        %dma_start3A_130 = arith.constant 0 : i32
        %dma_start3A_131 = tpu.memref_slice %arg6[%add3A_129, %dma_start3A_130] : memref<40x128xi32, #tpu.memory_space<vmem>> -> memref<1x128xi32, #tpu.memory_space<vmem>>
        %dma_start3A_132 = tpu.memref_squeeze %dma_start3A_131 : memref<1x128xi32, #tpu.memory_space<vmem>> -> memref<128xi32, #tpu.memory_space<vmem>>
        %dma_start3A_133 = arith.constant 0 : i32
        %dma_start3A_134 = arith.constant 0 : i32
        %dma_start3A_135 = tpu.memref_slice %arg2[%dma_start3A_133, %dma_start3A_134] : memref<10000x128xf32, #tpu.memory_space<hbm>> -> memref<10000x128xf32, #tpu.memory_space<hbm>>
        tpu.enqueue_indirect_dma source(%dma_start3A_135 : memref<10000x128xf32, #tpu.memory_space<hbm>>) target(%arg8 : memref<128x128xf32, #tpu.memory_space<vmem>>) offsets(%dma_start3A_132 : memref<128xi32, #tpu.memory_space<vmem>>) semaphore(%arg12 : memref<!tpu.dma_semaphore, #tpu.memory_space<semaphore_mem>>)
      } else {
      }
      %add3A_117 = arith.constant 1 : i32
      %add3A_118 = arith.addi %mul3A_98, %add3A_117 : i32
      %dma_wait3A_119 = arith.constant 0 : i32
      %dma_wait3A_120 = tpu.memref_slice %arg6[%add3A_118, %dma_wait3A_119] : memref<40x128xi32, #tpu.memory_space<vmem>> -> memref<1x128xi32, #tpu.memory_space<vmem>>
      %dma_wait3A_121 = tpu.memref_squeeze %dma_wait3A_120 : memref<1x128xi32, #tpu.memory_space<vmem>> -> memref<128xi32, #tpu.memory_space<vmem>>
      %dma_wait3A_122 = arith.constant 0 : i32
      %dma_wait3A_123 = arith.constant 0 : i32
      %dma_wait3A_124 = tpu.memref_slice %arg2[%dma_wait3A_122, %dma_wait3A_123] : memref<10000x128xf32, #tpu.memory_space<hbm>> -> memref<10000x128xf32, #tpu.memory_space<hbm>>
      tpu.wait_indirect_dma semaphore(%arg13 : memref<!tpu.dma_semaphore, #tpu.memory_space<semaphore_mem>>) src(%dma_wait3A_124 : memref<10000x128xf32, #tpu.memory_space<hbm>>) dst(%arg9 : memref<128x128xf32, #tpu.memory_space<vmem>>)
      %add3A_125 = arith.constant 1 : i32
      %add3A_126 = arith.addi %mul3A_98, %add3A_125 : i32
      "tpu.region"() ({
        %run_scoped3A = tpu.sem_alloc : memref<!tpu.dma_semaphore, #tpu.memory_space<semaphore_mem>>
        %dma_start3A_128 = arith.constant 0 : i32
        %dma_start3A_129 = tpu.memref_slice %arg7[%add3A_126, %dma_start3A_128] : memref<40x128xi32, #tpu.memory_space<vmem>> -> memref<1x128xi32, #tpu.memory_space<vmem>>
        %dma_start3A_130 = tpu.memref_squeeze %dma_start3A_129 : memref<1x128xi32, #tpu.memory_space<vmem>> -> memref<128xi32, #tpu.memory_space<vmem>>
        %dma_start3A_131 = arith.constant 0 : i32
        %dma_start3A_132 = arith.constant 0 : i32
        %dma_start3A_133 = tpu.memref_slice %arg11[%dma_start3A_131, %dma_start3A_132] : memref<10240x128xf32, #tpu.memory_space<vmem_shared>> -> memref<10240x128xf32, #tpu.memory_space<vmem_shared>>
        tpu.enqueue_indirect_dma source(%arg9 : memref<128x128xf32, #tpu.memory_space<vmem>>) target(%dma_start3A_133 : memref<10240x128xf32, #tpu.memory_space<vmem_shared>>) offsets(%dma_start3A_130 : memref<128xi32, #tpu.memory_space<vmem>>) semaphore(%run_scoped3A : memref<!tpu.dma_semaphore, #tpu.memory_space<semaphore_mem>>) {add = true}
        %dma_wait3A_134 = arith.constant 0 : i32
        %dma_wait3A_135 = tpu.memref_slice %arg7[%add3A_126, %dma_wait3A_134] : memref<40x128xi32, #tpu.memory_space<vmem>> -> memref<1x128xi32, #tpu.memory_space<vmem>>
        %dma_wait3A_136 = tpu.memref_squeeze %dma_wait3A_135 : memref<1x128xi32, #tpu.memory_space<vmem>> -> memref<128xi32, #tpu.memory_space<vmem>>
        %dma_wait3A_137 = arith.constant 0 : i32
        %dma_wait3A_138 = arith.constant 0 : i32
        %dma_wait3A_139 = tpu.memref_slice %arg11[%dma_wait3A_137, %dma_wait3A_138] : memref<10240x128xf32, #tpu.memory_space<vmem_shared>> -> memref<10240x128xf32, #tpu.memory_space<vmem_shared>>
        tpu.wait_indirect_dma semaphore(%run_scoped3A : memref<!tpu.dma_semaphore, #tpu.memory_space<semaphore_mem>>) src(%arg9 : memref<128x128xf32, #tpu.memory_space<vmem>>) dst(%dma_wait3A_139 : memref<10240x128xf32, #tpu.memory_space<vmem_shared>>)
        tpu.yield
      }) : () -> ()
      %scan3A_127 = arith.constant 0 : i32
      scf.yield %scan3A_127 : i32
    }
    %scan3A_79 = arith.constant 20 : i32
    %barrier3A_80 = arith.constant 0 : index
    tpu.barrier barrier_id(%barrier3A_80)
    %scan3A_81 = arith.constant 0 : i32
    %scan3A_82 = arith.constant 0 : i32
    %scan3A_83 = arith.constant 20 : i32
    %scan3A_84 = arith.addi %scan3A_82, %scan3A_83 : i32
    %scan3A_85 = arith.constant 1 : i32
    %scan3A_86 = scf.for %scan3A_95 = %scan3A_82 to %scan3A_84 step %scan3A_85 iter_args(%scan3A_96 = %scan3A_81) -> (i32)  : i32 {
      %mul3A_97 = arith.constant 640 : i32
      %mul3A_98 = arith.muli %arg1, %mul3A_97 : i32
      %mul3A_99 = arith.constant 32 : i32
      %mul3A_100 = arith.muli %scan3A_95, %mul3A_99 : i32
      %add3A_101 = arith.addi %mul3A_98, %mul3A_100 : i32
      %dma_start3A_102 = arith.constant 0 : i32
      %dma_start3A_103 = tpu.memref_slice %arg5[%arg0, %add3A_101, %dma_start3A_102] : memref<2x10240x128xf32, #tpu.memory_space<hbm>> -> memref<1x32x128xf32, #tpu.memory_space<hbm>>
      %dma_start3A_104 = tpu.memref_squeeze %dma_start3A_103 : memref<1x32x128xf32, #tpu.memory_space<hbm>> -> memref<32x128xf32, #tpu.memory_space<hbm>>
      %dma_start3A_105 = arith.constant 0 : i32
      %dma_start3A_106 = tpu.memref_slice %arg11[%add3A_101, %dma_start3A_105] : memref<10240x128xf32, #tpu.memory_space<vmem_shared>> -> memref<32x128xf32, #tpu.memory_space<vmem_shared>>
      tpu.enqueue_dma source(%dma_start3A_106 : memref<32x128xf32, #tpu.memory_space<vmem_shared>>) target(%dma_start3A_104 : memref<32x128xf32, #tpu.memory_space<hbm>>) target_semaphore(%arg12 : memref<!tpu.dma_semaphore, #tpu.memory_space<semaphore_mem>>)
      %scan3A_107 = arith.constant 0 : i32
      scf.yield %scan3A_107 : i32
    }
    %scan3A_87 = arith.constant 20 : i32
    %scan3A_88 = arith.constant 0 : i32
    %scan3A_89 = arith.constant 0 : i32
    %scan3A_90 = arith.constant 20 : i32
    %scan3A_91 = arith.addi %scan3A_89, %scan3A_90 : i32
    %scan3A_92 = arith.constant 1 : i32
    %scan3A_93 = scf.for %scan3A_95 = %scan3A_89 to %scan3A_91 step %scan3A_92 iter_args(%scan3A_96 = %scan3A_88) -> (i32)  : i32 {
      %mul3A_97 = arith.constant 640 : i32
      %mul3A_98 = arith.muli %arg1, %mul3A_97 : i32
      %mul3A_99 = arith.constant 32 : i32
      %mul3A_100 = arith.muli %scan3A_95, %mul3A_99 : i32
      %add3A_101 = arith.addi %mul3A_98, %mul3A_100 : i32
      %dma_wait3A_102 = arith.constant 0 : i32
      %dma_wait3A_103 = tpu.memref_slice %arg5[%arg0, %add3A_101, %dma_wait3A_102] : memref<2x10240x128xf32, #tpu.memory_space<hbm>> -> memref<1x32x128xf32, #tpu.memory_space<hbm>>
      %dma_wait3A_104 = tpu.memref_squeeze %dma_wait3A_103 : memref<1x32x128xf32, #tpu.memory_space<hbm>> -> memref<32x128xf32, #tpu.memory_space<hbm>>
      %dma_wait3A_105 = arith.constant 0 : i32
      %dma_wait3A_106 = tpu.memref_slice %arg11[%add3A_101, %dma_wait3A_105] : memref<10240x128xf32, #tpu.memory_space<vmem_shared>> -> memref<32x128xf32, #tpu.memory_space<vmem_shared>>
      tpu.wait_dma2 semaphore(%arg12 : memref<!tpu.dma_semaphore, #tpu.memory_space<semaphore_mem>>) src(%dma_wait3A_106 : memref<32x128xf32, #tpu.memory_space<vmem_shared>>) dst(%dma_wait3A_104 : memref<32x128xf32, #tpu.memory_space<hbm>>)
      %scan3A_107 = arith.constant 0 : i32
      scf.yield %scan3A_107 : i32
    }
    %scan3A_94 = arith.constant 20 : i32
    return
  }
}

module attributes {stable_mosaic.version = 14 : i64} {
  func.func @body(%arg0: i32, %arg1: memref<2x1000x128xf32, #tpu.memory_space<vmem>>, %arg2: memref<1000x128xf32, #tpu.memory_space<vmem>>) attributes {dimension_semantics = [#tpu.dimension_semantics<arbitrary>], iteration_bounds = array<i64: 10>, scalar_prefetch = 0 : i64, scratch_operands = 0 : i64, tpu.core_type = #tpu.core_type<tc>, window_params = [{transform_indices = @transform_0, window_bounds = array<i64: 2, 1000, 128>}, {transform_indices = @transform_1, window_bounds = array<i64: 1000, 128>}]} {
    %get3A = arith.constant 0 : index
    %get3A_0 = arith.constant 0 : index
    %get3A_1 = arith.constant 0 : index
    %get3A_2 = vector.load %arg1[%get3A, %get3A_0, %get3A_1] : memref<2x1000x128xf32, #tpu.memory_space<vmem>>, vector<1x1000x128xf32>
    %get3A_3 = vector.shape_cast %get3A_2 : vector<1x1000x128xf32> to vector<1000x128xf32>
    %get3A_4 = arith.constant 1 : index
    %get3A_5 = arith.constant 0 : index
    %get3A_6 = arith.constant 0 : index
    %get3A_7 = vector.load %arg1[%get3A_4, %get3A_5, %get3A_6] : memref<2x1000x128xf32, #tpu.memory_space<vmem>>, vector<1x1000x128xf32>
    %get3A_8 = vector.shape_cast %get3A_7 : vector<1x1000x128xf32> to vector<1000x128xf32>
    %add3A = arith.addf %get3A_3, %get3A_8 : vector<1000x128xf32>
    %swap3A = arith.constant 0 : index
    %swap3A_9 = arith.constant 0 : index
    %swap3A_10 = vector.load %arg2[%swap3A, %swap3A_9] : memref<1000x128xf32, #tpu.memory_space<vmem>>, vector<1000x128xf32>
    tpu.vector_store %arg2[%swap3A, %swap3A_9], %add3A {strides = array<i32>} : memref<1000x128xf32, #tpu.memory_space<vmem>>, vector<1000x128xf32>,
    return
  }
  func.func @transform_0(%arg0: i32) -> (i32, i32, i32) {
    %c0_i32 = arith.constant 0 : i32
    %c0_i32_0 = arith.constant 0 : i32
    %c0_i32_1 = arith.constant 0 : i32
    return %c0_i32, %arg0, %c0_i32_0 : i32, i32, i32
  }
  func.func @transform_1(%arg0: i32) -> (i32, i32) {
    %c0_i32 = arith.constant 0 : i32
    %c0_i32_0 = arith.constant 0 : i32
    return %arg0, %c0_i32 : i32, i32
  }
}

module attributes {stable_mosaic.version = 14 : i64} {
  func.func @body(%arg0: i32, %arg1: memref<1x1xf32, #tpu.memory_space<smem>>, %arg2: memref<1000x128xf32, #tpu.memory_space<vmem>>, %arg3: memref<2x1000x128xf32, #tpu.memory_space<vmem>>, %arg4: memref<128x128xf32, #tpu.memory_space<vmem>>, %arg5: memref<1x128xf32, #tpu.memory_space<vmem>>, %arg6: memref<1000x128xf32, #tpu.memory_space<vmem>>) attributes {dimension_semantics = [#tpu.dimension_semantics<arbitrary>], iteration_bounds = array<i64: 10>, scalar_prefetch = 0 : i64, scratch_operands = 0 : i64, tpu.core_type = #tpu.core_type<tc>, window_params = [{transform_indices = @transform_0, window_bounds = array<i64: 1, 1>}, {transform_indices = @transform_1, window_bounds = array<i64: 1000, 128>}, {transform_indices = @transform_2, window_bounds = array<i64: 2, 1000, 128>}, {pipeline_mode = #tpu.pipeline_mode<synchronous>, transform_indices = @transform_3, window_bounds = array<i64: 128, 128>}, {pipeline_mode = #tpu.pipeline_mode<synchronous>, transform_indices = @transform_4, window_bounds = array<i64: 1, 128>}, {transform_indices = @transform_5, window_bounds = array<i64: 1000, 128>}]} {
    %get3A = arith.constant 0 : index
    %get3A_0 = arith.constant 0 : index
    %get3A_1 = memref.load %arg1[%get3A, %get3A_0] : memref<1x1xf32, #tpu.memory_space<smem>>
    %add3A = arith.constant 1.000000e+00 : f32
    %add3A_2 = arith.addf %add3A, %get3A_1 : f32
    %get3A_3 = arith.constant 0 : index
    %get3A_4 = arith.constant 0 : index
    %get3A_5 = vector.load %arg2[%get3A_3, %get3A_4] : memref<1000x128xf32, #tpu.memory_space<vmem>>, vector<1000x128xf32>
    %mul3A = vector.broadcast %add3A_2 : f32 to vector<1000x128xf32>
    %mul3A_6 = arith.mulf %get3A_5, %mul3A : vector<1000x128xf32>
    %get3A_7 = arith.constant 0 : index
    %get3A_8 = arith.constant 0 : index
    %get3A_9 = arith.constant 0 : index
    %get3A_10 = vector.load %arg3[%get3A_7, %get3A_8, %get3A_9] : memref<2x1000x128xf32, #tpu.memory_space<vmem>>, vector<1x1000x128xf32>
    %get3A_11 = vector.shape_cast %get3A_10 : vector<1x1000x128xf32> to vector<1000x128xf32>
    %add3A_12 = arith.addf %mul3A_6, %get3A_11 : vector<1000x128xf32>
    %get3A_13 = arith.constant 1 : index
    %get3A_14 = arith.constant 0 : index
    %get3A_15 = arith.constant 0 : index
    %get3A_16 = vector.load %arg3[%get3A_13, %get3A_14, %get3A_15] : memref<2x1000x128xf32, #tpu.memory_space<vmem>>, vector<1x1000x128xf32>
    %get3A_17 = vector.shape_cast %get3A_16 : vector<1x1000x128xf32> to vector<1000x128xf32>
    %add3A_18 = arith.addf %add3A_12, %get3A_17 : vector<1000x128xf32>
    %get3A_19 = arith.constant 0 : index
    %get3A_20 = arith.constant 0 : index
    %get3A_21 = vector.load %arg4[%get3A_19, %get3A_20] : memref<128x128xf32, #tpu.memory_space<vmem>>, vector<128x128xf32>
    %dot_general3A = arith.constant dense<0.000000e+00> : vector<1000x128xf32>
    %dot_general3A_22 = tpu.matmul %add3A_18, %get3A_21, %dot_general3A {dimension_numbers = #tpu.dot_dimension_numbers<[1], [1], [0], [0], [0, 0, 1, 0], [], []>, transpose_lhs_hint = false} : vector<1000x128xf32>, vector<128x128xf32>, vector<1000x128xf32> -> vector<1000x128xf32>
    %get3A_23 = arith.constant 0 : index
    %get3A_24 = arith.constant 0 : index
    %get3A_25 = vector.load %arg5[%get3A_23, %get3A_24] : memref<1x128xf32, #tpu.memory_space<vmem>>, vector<1x128xf32>
    %add3A_26 = vector.broadcast %get3A_25 : vector<1x128xf32> to vector<1000x128xf32>
    %add3A_27 = arith.addf %dot_general3A_22, %add3A_26 : vector<1000x128xf32>
    %swap3A = arith.constant 0 : index
    %swap3A_28 = arith.constant 0 : index
    %swap3A_29 = vector.load %arg6[%swap3A, %swap3A_28] : memref<1000x128xf32, #tpu.memory_space<vmem>>, vector<1000x128xf32>
    tpu.vector_store %arg6[%swap3A, %swap3A_28], %add3A_27 {strides = array<i32>} : memref<1000x128xf32, #tpu.memory_space<vmem>>, vector<1000x128xf32>,
    return
  }
  func.func @transform_0(%arg0: i32) -> (i32, i32) {
    %c0_i32 = arith.constant 0 : i32
    %c0_i32_0 = arith.constant 0 : i32
    %c0_i32_1 = arith.constant 0 : i32
    return %c0_i32, %c0_i32_0 : i32, i32
  }
  func.func @transform_1(%arg0: i32) -> (i32, i32) {
    %c0_i32 = arith.constant 0 : i32
    %c0_i32_0 = arith.constant 0 : i32
    return %arg0, %c0_i32 : i32, i32
  }
  func.func @transform_2(%arg0: i32) -> (i32, i32, i32) {
    %c0_i32 = arith.constant 0 : i32
    %c0_i32_0 = arith.constant 0 : i32
    %c0_i32_1 = arith.constant 0 : i32
    return %c0_i32, %arg0, %c0_i32_0 : i32, i32, i32
  }
  func.func @transform_3(%arg0: i32) -> (i32, i32) {
    %c0_i32 = arith.constant 0 : i32
    %c0_i32_0 = arith.constant 0 : i32
    %c0_i32_1 = arith.constant 0 : i32
    return %c0_i32, %c0_i32_0 : i32, i32
  }
  func.func @transform_4(%arg0: i32) -> (i32, i32) {
    %c0_i32 = arith.constant 0 : i32
    %c0_i32_0 = arith.constant 0 : i32
    %c0_i32_1 = arith.constant 0 : i32
    return %c0_i32, %c0_i32_0 : i32, i32
  }
  func.func @transform_5(%arg0: i32) -> (i32, i32) {
    %c0_i32 = arith.constant 0 : i32
    %c0_i32_0 = arith.constant 0 : i32
    return %arg0, %c0_i32 : i32, i32
  }
}

</mosaic_0001>

<sc_bundles>
// kernel: kernel.6.cloned.1.call-start
scs
__scs_entry_jumppad:
0x0: {  	(pc) =	sbr.rel $0x88, $3  }
0x1: {  	(tag) =	ssettag $0x0;
	lr =	simm.s32 $0x1  }
0x2: {  	[smem:$0x3F9C] =	sst lr;
	_ =	strace $0xD0000000  }
0x3: {  	_ = 	snop  }
0x4: {  	_ = 	snop  }
0x5: {  	_ = 	snop  }
0x6: {  	_ = 	snop  }
0x7: {  	_ = 	snop  }
__scs_overlays_trampoline_lowered:
0x8: {  	[smem:$0x3FAB] =	sst s0  }
0x9: {  	[smem:$0x3FAC] =	sst s1  }
0xa: {  	[smem:$0x3FAD] =	sst s2  }
0xb: {  	[smem:$0x3FAE] =	sst s3  }
0xc: {  	[smem:$0x3FAF] =	sst s4  }
0xd: {  	[smem:$0x3FB0] =	sst s5  }
0xe: {  	[smem:$0x3FB1] =	sst s6  }
0xf: {  	[smem:$0x3FB2] =	sst s7  }
0x10: {  	[smem:$0x3FB3] =	sst s8  }
0x11: {  	[smem:$0x3FB4] =	sst s9;
	s0 =	simm.s32 @!p0 $0x0  }
0x12: {  	s1 =	sld [smem:$0x3F9A];
	s0 =	simm.s32 @p0 $0x1  }
0x13: {  	[smem:$0x3FB5] =	sst s0;
	s0 =	simm.s32 @!p1 $0x0  }
0x14: {  	s2 =	sld [smem:$0x3F99];
	s0 =	simm.s32 @p1 $0x1  }
0x15: {  	[smem:$0x3FB6] =	sst s0;
	s0 =	simm.s32 @!p2 $0x0  }
0x16: {  	s3 =	sld [smem:$0x3FDB];
	s0 =	simm.s32 @p2 $0x1  }
0x17: {  	s4 =	simm.s32 $0x1BF5;
	[smem:$0x3FB8] =	sst s0  }
0x18: {  	s0 =	sld [smem:$0x3F9B];
	_ =	swait.ge [sflag:s4], $0x0  }
0x19: {  	s7 =	sld [smem:$0x3F9C]  }
0x1a: {  	s8 =	sadd.s32 $0xFFFFE003, lr  }
0x1b: {  	s9 =	sadd.s32 $0xFFFFFEF7, lr;
	s5 =	simm.s32 $0xFFFFFFFF;
	p2 =	slt.u32 s8, $0xFFFFF086  }
0x1c: {  	p1 =	slt.u32 s9, $0xF7A;
	s5 =	simm.s32 @!p2 $0x0  }
0x1d: {  	s5 =	simm.s32 @p1 $0x1;
	p0 =	seq.s32 s7, s2  }
0x1e: {  	s7 =	smul.u32 @!p0 $0xF7A, s2;
	p2 =	seq.s32 @!p0 s5, $0x0  }
0x1f: {  	s9 =	smul.u32 $0xF7A, s1;
	s8 =	simm.s32 @!p0 $0x1BF5;
	p2 =	por !p2, p0  }
0x20: {  	[sflag:s8] =	ssyncset.s32 @!p0 $0xFFFFF086;
	s6 =	sadd.s32 @!p0 s3, s7;
	s7 =	simm.s32 @!p0 $0x108  }
0x21: {  	s3 =	sadd.s32 s3, s9;
	s6 =	sadd.s32 @!p0 $0x88, s6;
	s7 =	simm.s32 @p2 $0x1082  }
0x22: {  	[simem:s7], [sflag:s8] =	dma.local @!p0 [hbm:s6], $0xF7A  }
0x23: {  	s9 =	sor.u32 $0xD0000000, s2;
	s6 =	simm.s32 $0x108;
	_ =	swait.ge @!p0 [sflag:s8], $0x0  }
0x24: {  	s3 =	sadd.s32 $0x88, s3;
	s6 =	simm.s32 @!p1 $0x1082;
	[sflag:s4] =	ssyncset.s32 $0xFFFFF086  }
0x25: {  	[simem:s6], [sflag:s4] =	dma.local [hbm:s3], $0xF7A  }
0x26: {  	[smem:$0x3F9C] =	sst s1;
	(tag) =	ssettag s2;
	_ =	strace s9  }
0x27: {  	s1 =	sld [smem:$0x3FAC]  }
0x28: {  	s2 =	sld [smem:$0x3FAD]  }
0x29: {  	s4 =	sld [smem:$0x3FAF]  }
0x2a: {  	p0 =	seq.s32 s5, $0x0;
	s5 =	sld [smem:$0x3FB0]  }
0x2b: {  	s6 =	sld [smem:$0x3FB1]  }
0x2c: {  	s7 =	sld [smem:$0x3FB2]  }
0x2d: {  	s3 =	simm.s32 $0x108;
	s8 =	sld [smem:$0x3FB3]  }
0x2e: {  	s3 =	simm.s32 @!p0 $0x1082;
	s9 =	sld [smem:$0x3FB4]  }
0x2f: {  	lr =	sadd.s32 s0, s3;
	s0 =	sld [smem:$0x3FAB]  }
0x30: {  	s3 =	sld [smem:$0x3FAE]  }
0x31: {  	[smem:$0x3FB7] =	sst s10  }
0x32: {  	s10 =	sld [smem:$0x3FB5];
	_ =	sdelay $0x3  }
0x33: {  	p0 =	seq.s32 s10, $0x1;
	s10 =	sld [smem:$0x3FB7];
	_ =	sdelay $0x3  }
0x34: {  	[smem:$0x3FB7] =	sst s10  }
0x35: {  	s10 =	sld [smem:$0x3FB6];
	_ =	sdelay $0x3  }
0x36: {  	p1 =	seq.s32 s10, $0x1;
	s10 =	sld [smem:$0x3FB7];
	_ =	sdelay $0x3  }
0x37: {  	[smem:$0x3FB7] =	sst s10  }
0x38: {  	s10 =	sld [smem:$0x3FB8]  }
0x39: {  	_ = 	snop;
	(pc) =	sbr.ind lr, $3  }
0x3a: {  	_ = 	snop  }
0x3b: {  	_ = 	snop  }
0x3c: {  	p2 =	seq.s32 s10, $0x1;
	s10 =	sld [smem:$0x3FB7]  }
0x3d: {  	_ =	shalt  }
0x3e: {  	_ =	shalt  }
0x3f: {  	_ =	shalt  }
0x40: {  	_ =	shalt  }
0x41: {  	_ =	shalt  }
0x42: {  	_ =	shalt  }
0x43: {  	_ =	shalt  }
0x44: {  	_ =	shalt  }
0x45: {  	_ =	shalt  }
0x46: {  	_ =	shalt  }
0x47: {  	_ =	shalt  }
0x48: {  	_ =	shalt  }
0x49: {  	_ =	shalt  }
0x4a: {  	_ =	shalt  }
0x4b: {  	_ =	shalt  }
0x4c: {  	_ =	shalt  }
0x4d: {  	_ =	shalt  }
0x4e: {  	_ =	shalt  }
0x4f: {  	_ =	shalt  }
0x50: {  	_ =	shalt  }
0x51: {  	_ =	shalt  }
0x52: {  	_ =	shalt  }
0x53: {  	_ =	shalt  }
0x54: {  	_ =	shalt  }
0x55: {  	_ =	shalt  }
0x56: {  	_ =	shalt  }
0x57: {  	_ =	shalt  }
0x58: {  	_ =	shalt  }
0x59: {  	_ =	shalt  }
0x5a: {  	_ =	shalt  }
0x5b: {  	_ =	shalt  }
0x5c: {  	_ =	shalt  }
0x5d: {  	_ =	shalt  }
0x5e: {  	_ =	shalt  }
0x5f: {  	_ =	shalt  }
0x60: {  	_ =	shalt  }
0x61: {  	_ =	shalt  }
0x62: {  	_ =	shalt  }
0x63: {  	_ =	shalt  }
0x64: {  	_ =	shalt  }
0x65: {  	_ =	shalt  }
0x66: {  	_ =	shalt  }
0x67: {  	_ =	shalt  }
0x68: {  	_ =	shalt  }
0x69: {  	_ =	shalt  }
0x6a: {  	_ =	shalt  }
0x6b: {  	_ =	shalt  }
0x6c: {  	_ =	shalt  }
0x6d: {  	_ =	shalt  }
0x6e: {  	_ =	shalt  }
0x6f: {  	_ =	shalt  }
0x70: {  	_ =	shalt  }
0x71: {  	_ =	shalt  }
0x72: {  	_ =	shalt  }
0x73: {  	_ =	shalt  }
0x74: {  	_ =	shalt  }
0x75: {  	_ =	shalt  }
0x76: {  	_ =	shalt  }
0x77: {  	_ =	shalt  }
0x78: {  	_ =	shalt  }
0x79: {  	_ =	shalt  }
0x7a: {  	_ =	shalt  }
0x7b: {  	_ =	shalt  }
0x7c: {  	_ =	shalt  }
0x7d: {  	_ =	shalt  }
0x7e: {  	_ =	shalt  }
0x7f: {  	_ =	shalt  }
0x80: {  	_ =	shalt  }
0x81: {  	_ =	shalt  }
0x82: {  	_ =	shalt  }
0x83: {  	_ =	shalt  }
0x84: {  	_ =	shalt  }
0x85: {  	_ =	shalt  }
0x86: {  	_ =	shalt  }
0x87: {  	_ =	shalt  }
.Lfunc_end0:
.L_simem_size_0:
called_computation_lowered:
.L_overlay_start_0:
0x88: {  	s2 =	sld [smem:$0x3FD9]  }
0x89: {  	s3 =	sld [smem:$0x3FFE];
	_ =	sdelay $0x1  }
0x8a: {  	s1 =	srdreg.scid  }
0x8b: {  	s0 =	sand.u32 $0x1, s1  }
0x8c: {  	s14 =	sshll.u32 s0, $0xA;
	s2 =	sadd.s32 s3, s2  }
0x8d: {  	s2 =	sadd.s32 s2, s14  }
0x8e: {  	[smem:$0x3FC3] =	sst s2  }
0x8f: {  	_ = 	snop  }
0x90: {  	s2 =	sld [smem:$0x3FD0];
	_ =	sdelay $0x2  }
0x91: {  	s4 =	simm.s32 $0xA;
	s5 =	simm.s32 $0x10;
	s15 =	sld [smem:$0x3FC9]  }
0x92: {  	[smem:s5], [sflag:s4] =	dma.local [hbm:s2], $0x1  }
0x93: {  	_ =	swait.eq [sflag:s4], $0x1  }
0x94: {  	[sflag:s4] =	ssyncset.done $0x0  }
0x95: {  	[sflag:s4] =	ssyncadd.s32 $0xFFFFFFFF  }
0x96: {  	s16 =	sld [smem:$0x11];
	(tm) =	ssettm $0x1  }
0x97: {  	s17 =	sld [smem:$0x3FFB];
	_ =	sdelay $0x3  }
0x98: {  	_ =	strace s17  }
0x99: {  	s4 =	sld [smem:$0x3FFC];
	_ =	sdelay $0x3  }
0x9a: {  	_ =	strace s4  }
0x9b: {  	s4 =	sld [smem:$0x3FFD];
	_ =	sdelay $0x3  }
0x9c: {  	_ =	strace s4  }
0x9d: {  	_ =	strace $0x8FFFFFFF  }
0x9e: {  	s18 =	sld [smem:$0x3FDB];
	_ =	sdelay $0x1  }
0x9f: {  	s19 =	simm.s32 $_scs_section_size  }
0xa0: {  	s6 =	simm.s32 $_size__tile_overlayer_lowered;
	s7 =	simm.s32 $_tile_overlayer_lowered  }
0xa1: {  	s22 =	simm.s32 $0x1BFF;
	s21 =	sshll.u32 s7, $0x1;
	s4 =	sadd.s32 s19, s18  }
0xa2: {  	s8 =	simm.s32 $0x0;
	s20 =	sshll.u32 s6, $0x1;
	s6 =	sadd.s32 s21, s4  }
0xa3: {  	[timem:s8], [sflag:s22] =	dma.local [hbm:s6], s20  }
0xa4: {  	_ =	swait.ge [sflag:s22], s20  }
0xa5: {  	s5 =	ssub.s32 $0x0, s20;
	[sflag:s22] =	ssyncset.done $0x0  }
0xa6: {  	[sflag:s22] =	ssyncadd.s32 s5;
	_ =	sdelay $0x1  }
0xa7: {  	s23 =	simm.s32 $0x1B8B  }
0xa8: {  	_ =	swait.ge [sflag:s23], $0x1  }
0xa9: {  	[sflag:s23] =	ssyncset.done $0x0  }
0xaa: {  	s25 =	simm.s32 $0x1B8E;
	s24 =	sld [smem:$0x3FFE];
	[sflag:s23] =	ssyncadd.s32 $0xFFFFFFFF  }
0xab: {  	s26 =	simm.s32 $execute0_lowered;
	[smem:$0x3FD2] =	sst s25  }
0xac: {  	s6 =	sshll.u32 s26, $0x1;
	_ =	strace $0x80000046;
	[dreg:$0x1] =	wrdreg $0xFFFFFFFF  }
0xad: {  	s28 =	simm.s32 $_size_execute0_lowered;
	s4 =	sadd.s32 s4, s6;
	[dreg:$0x0] =	wrdreg $0x0  }
0xae: {  	s6 =	sshll.u32 s28, $0x1;
	[dreg:$0x2] =	wrdreg s4  }
0xaf: {  	[dreg:$0x3] =	wrdreg s6  }
0xb0: {  	[dreg:$0x4] =	wrdreg $0xC0  }
0xb1: {  	_ =	task [dreg:s8], $0x5FFFF  }
0xb2: {  	[dreg:$0x1] =	wrdreg $0xFFFFFFFF  }
0xb3: {  	[dreg:$0x0] =	wrdreg $0x60  }
0xb4: {  	[dreg:$0x2] =	wrdreg s15  }
0xb5: {  	[dreg:$0x3] =	wrdreg s24  }
0xb6: {  	[dreg:$0x4] =	wrdreg s16  }
0xb7: {  	[dreg:$0x5] =	wrdreg $0xB8000  }
0xb8: {  	[dreg:$0x6] =	wrdreg $0x9  }
0xb9: {  	_ =	task.clear_ibuf [dreg:s8], $0x7FFFF;
	_ =	strace $0x90000046  }
0xba: {  	s29 =	simm.s32 $0x9;
	_ =	strace $0x80000048  }
0xbb: {  	_ =	swait.ge [sflag:s29], $0x1  }
0xbc: {  	[sflag:s29] =	ssyncadd.s32 $0xFFFFFFFF  }
0xbd: {  	_ =	strace $0x90000048  }
0xbe: {  	_ =	sfence  }
0xbf: {  	s30 =	sld [smem:$0x0];
	_ =	sdelay $0x2  }
0xc0: {  	s31 =	sshll.u32 s1, $0xD;
	s1 =	sshrl.u32 s1, $0x2  }
0xc1: {  	s3 =	sand.u32 $0x4000, s31;
	s1 =	sadd.s32 s1, s30  }
0xc2: {  	s0 =	sor.u32 s3, s0;
	s1 =	sshll.u32 s1, $0x11  }
0xc3: {  	s0 =	sor.u32 s1, s0  }
0xc4: {  	s0 =	sadd.s32 $0x8F2B, s0  }
0xc5: {  	[sflag:s0] =	ssyncadd.remote.s32 $0x1  }
0xc6: {  	_ =	sfence.sel $0xFFFF  }
0xc7: {  	[dreg:$0x0] =	wrdreg $0xFFFFFFFF;
	(pc) =	sbr.abs _section_cstart, $3  }
0xc8: {  	[dreg:$0x1] =	wrdreg $0xFFFFFFFF  }
0xc9: {  	_ =	task.clear_ibuf [dreg:s8], $0x2FFFF;
	_ =	strace $0x9FFFFFFF  }
0xca: {  	(tm) =	ssettm $0x7FFFFFFF  }
0xcb: {  	_ =	shalt  }
tec
execute0_lowered:
.L_overlay_start_1:
0x0: {  	(tag) =	ssettag $0x1  }
0x1: {  	s1 =	rddreg [dreg:$0x0]  }
0x2: {  	s0 =	rddreg [dreg:$0x1]  }
0x3: {  	s2 =	rddreg [dreg:$0x2]  }
0x4: {  	s3 =	rddreg [dreg:$0x3]  }
0x5: {  	s4 =	srdreg.scid;
	s9 =	stileid.u32  }
0x6: {  	s8 =	simm.s32 $0x0;
	s4 =	sand.u32 $0x1, s4;
	s6 =	smul.u32 $0x14000, s9  }
0x7: {  	[smem:$0x7FF] =	sst s8;
	s10 =	sadd.s32 $0x1400, s0;
	s5 =	smul.u32 $0x140000, s4  }
0x8: {  	s7 =	sshll.u32 s4, $0x4;
	_ =	strace $0x80000047;
	s4 =	ssub.s32 $0x2, s4  }
0x9: {  	s7 =	sor.u32 s9, s7;
	s11 =	sshrl.u32 s4, $0x1;
	s9 =	smul.u32 $0x50000, s9  }
0xa: {  	s5 =	sadd.s32 s6, s5;
	s8 =	smul.u32 $0x2800, s7;
	s4 =	ssub.s32 s4, s11  }
0xb: {  	s5 =	sshrl.u32 s5, $0x3;
	s14 =	sshrl.u32 s9, $0x2;
	s16 =	smax.u32 s4, $0x1  }
0xc: {  	s4 =	simm.s32 $0x1;
	s9 =	simm.s32 $0x6800;
	s6 =	sshrl.u32 s8, $0x3  }
0xd: {  	s0 =	sadd.s32 s5, s0;
	[dreg:$0x9] =	wrdreg s16;
	s12 =	sadd.s32 s10, s6  }
0xe: {  	s7 =	sadd.s32 s14, s3;
	s13 =	sadd.s32 s2, s6;
	[dreg:$0x5] =	wrdreg s12  }
0xf: {  	s5 =	simm.s32 $0x2;
	s17 =	sadd.s32 $0x2000, s7;
	[dreg:$0x6] =	wrdreg s13  }
0x10: {  	s8 =	simm.s32 $0x2800;
	s19 =	sadd.s32 $0x3000, s7;
	[dreg:$0xa] =	wrdreg s17  }
0x11: {  	s14 =	simm.s32 $0x2780;
	s20 =	sadd.s32 $0x4000, s7;
	[dreg:$0xb] =	wrdreg s19  }
0x12: {  	s6 =	sadd.s32 $0x280, s6;
	s21 =	sadd.s32 $0x5000, s7;
	[dreg:$0xc] =	wrdreg s20  }
0x13: {  	s18 =	sadd.s32 $0x1000, s7;
	s22 =	sadd.s32 $0x6000, s7;
	[dreg:$0xd] =	wrdreg s21  }
0x14: {  	s23 =	sadd.s32 $0x7000, s7;
	s24 =	sadd.s32 $0x8000, s7;
	[dreg:$0xe] =	wrdreg s22  }
0x15: {  	s25 =	sadd.s32 $0x9000, s7;
	s26 =	sadd.s32 $0xA000, s7;
	[dreg:$0xf] =	wrdreg s23  }
0x16: {  	s28 =	sadd.s32 $0x10000, s7;
	s29 =	sadd.s32 $0x11000, s7;
	[dreg:$0x10] =	wrdreg s24  }
0x17: {  	s30 =	sadd.s32 $0x12000, s7;
	s31 =	sadd.s32 $0x13000, s7;
	[dreg:$0x11] =	wrdreg s25  }
0x18: {  	s15 =	sadd.s32 s10, s6;
	s2 =	sadd.s32 s2, s6;
	[dreg:$0x12] =	wrdreg s26  }
0x19: {  	s21 =	sadd.s32 $0xB000, s7;
	s22 =	sadd.s32 $0xC000, s7;
	s23 =	sadd.s32 $0xD000, s7  }
0x1a: {  	s24 =	sadd.s32 $0xE000, s7;
	s25 =	sadd.s32 $0x15400, s0;
	s26 =	sadd.s32 $0xF000, s7  }
0x1b: {  	s0 =	simm.s32 $0x1400;
	s6 =	simm.s32 $0x80;
	s10 =	simm.s32 $0x3  }
0x1c: {  	s12 =	simm.s32 $0x1380;
	s13 =	simm.s32 $0x2700;
	[dreg:$0x7] =	wrdreg s15  }
0x1d: {  	v0 =	vimm.f32 $0.0e+00;
	[dreg:$0x8] =	wrdreg s2;
	s2 =	simm.s32 $0xA800;
	s15 =	simm.s32 $0x0  }
.LBB2_1:
0x1e: {  	s11 =	simm.s32 $0x0;
	s16 =	rddreg [dreg:$0x5]  }
0x1f: {  	[tilespmem:s11], [sflag:$0x2] =	stream.linear.gather [hbm4b:s16+s11], $0x1400, $0x38;
	[tilespmem:$0x1F800] =	vst v63  }
0x20: {  	s20 =	rddreg [dreg:$0x6];
	s17 =	simm.s32 $0x200;
	s16 =	simm.s32 $0x0  }
0x21: {  	[tilespmem:s0], [sflag:$0x2] =	stream.linear.gather [hbm4b:s20+s11], $0x1400, $0x38;
	[tilespmem:$0x1F800] =	vst v63  }
.LBB2_2:
0x22: {  	p0 =	sne.s32 s17, $0x3E00;
	[tilespmem:s16+$0xA870] =	vst v0  }
0x23: {  	[tilespmem:s16+$0xA800] =	vst v0  }
0x24: {  	[tilespmem:s16+$0xA810] =	vst v0  }
.Ltmp0:
0x25: {  	[tilespmem:s16+$0xA820] =	vst v0;
	(pc) =	sbr.rel @p0 .LBB2_2-.Ltmp0, $4  }
0x26: {  	[tilespmem:s16+$0xA830] =	vst v0  }
0x27: {  	[tilespmem:s16+$0xA840] =	vst v0  }
0x28: {  	[tilespmem:s16+$0xA850] =	vst v0  }
0x29: {  	[tilespmem:s16+$0xA860] =	vst v0;
	s16 =	sshra.s32 s17, $0x2;
	s17 =	sadd.s32 $0x200, s17  }
0x2a: {  	[tilespmem:s16+$0xA870] =	vst v0  }
0x2b: {  	[tilespmem:s16+$0xA800] =	vst v0  }
0x2c: {  	[tilespmem:s16+$0xA810] =	vst v0  }
0x2d: {  	[tilespmem:s16+$0xA820] =	vst v0  }
0x2e: {  	[tilespmem:s16+$0xA830] =	vst v0  }
0x2f: {  	[tilespmem:s16+$0xA840] =	vst v0  }
0x30: {  	[tilespmem:s16+$0xA850] =	vst v0  }
0x31: {  	[tilespmem:s16+$0xA860] =	vst v0  }
0x32: {  	[spmem:s7] =	stream.linear.scatter [tilespmem:s2], [sflag:$0x1], $0x1000, $0x38;
	[tilespmem:$0x1F800] =	vst v63  }
0x33: {  	_ = 	snop  }
0x34: {  	[spmem:s18] =	stream.linear.scatter [tilespmem:s2], [sflag:$0x1], $0x1000, $0x38;
	[tilespmem:$0x1F800] =	vst v63  }
0x35: {  	s11 =	rddreg [dreg:$0xa]  }
0x36: {  	[spmem:s11] =	stream.linear.scatter [tilespmem:s2], [sflag:$0x1], $0x1000, $0x38;
	[tilespmem:$0x1F800] =	vst v63  }
0x37: {  	s20 =	rddreg [dreg:$0xb]  }
0x38: {  	[spmem:s20] =	stream.linear.scatter [tilespmem:s2], [sflag:$0x1], $0x1000, $0x38;
	[tilespmem:$0x1F800] =	vst v63  }
0x39: {  	s16 =	rddreg [dreg:$0xc]  }
0x3a: {  	[spmem:s16] =	stream.linear.scatter [tilespmem:s2], [sflag:$0x1], $0x1000, $0x38;
	[tilespmem:$0x1F800] =	vst v63  }
0x3b: {  	s17 =	rddreg [dreg:$0xd]  }
0x3c: {  	[spmem:s17] =	stream.linear.scatter [tilespmem:s2], [sflag:$0x1], $0x1000, $0x38;
	[tilespmem:$0x1F800] =	vst v63  }
0x3d: {  	s19 =	rddreg [dreg:$0xe]  }
0x3e: {  	[spmem:s19] =	stream.linear.scatter [tilespmem:s2], [sflag:$0x1], $0x1000, $0x38;
	[tilespmem:$0x1F800] =	vst v63  }
0x3f: {  	s20 =	rddreg [dreg:$0xf]  }
0x40: {  	[spmem:s20] =	stream.linear.scatter [tilespmem:s2], [sflag:$0x1], $0x1000, $0x38;
	[tilespmem:$0x1F800] =	vst v63  }
0x41: {  	s16 =	rddreg [dreg:$0x10]  }
0x42: {  	[spmem:s16] =	stream.linear.scatter [tilespmem:s2], [sflag:$0x1], $0x1000, $0x38;
	[tilespmem:$0x1F800] =	vst v63  }
0x43: {  	s17 =	rddreg [dreg:$0x11]  }
0x44: {  	[spmem:s17] =	stream.linear.scatter [tilespmem:s2], [sflag:$0x1], $0x1000, $0x38;
	[tilespmem:$0x1F800] =	vst v63  }
0x45: {  	s19 =	rddreg [dreg:$0x12]  }
0x46: {  	[spmem:s19] =	stream.linear.scatter [tilespmem:s2], [sflag:$0x1], $0x1000, $0x38;
	[tilespmem:$0x1F800] =	vst v63  }
0x47: {  	_ = 	snop  }
0x48: {  	[spmem:s21] =	stream.linear.scatter [tilespmem:s2], [sflag:$0x1], $0x1000, $0x38;
	[tilespmem:$0x1F800] =	vst v63  }
0x49: {  	_ = 	snop  }
0x4a: {  	[spmem:s22] =	stream.linear.scatter [tilespmem:s2], [sflag:$0x1], $0x1000, $0x38;
	[tilespmem:$0x1F800] =	vst v63  }
0x4b: {  	_ = 	snop  }
0x4c: {  	[spmem:s23] =	stream.linear.scatter [tilespmem:s2], [sflag:$0x1], $0x1000, $0x38;
	[tilespmem:$0x1F800] =	vst v63  }
0x4d: {  	_ = 	snop  }
0x4e: {  	[spmem:s24] =	stream.linear.scatter [tilespmem:s2], [sflag:$0x1], $0x1000, $0x38;
	[tilespmem:$0x1F800] =	vst v63  }
0x4f: {  	_ = 	snop  }
0x50: {  	[spmem:s26] =	stream.linear.scatter [tilespmem:s2], [sflag:$0x1], $0x1000, $0x38;
	[tilespmem:$0x1F800] =	vst v63  }
0x51: {  	_ = 	snop  }
0x52: {  	[spmem:s28] =	stream.linear.scatter [tilespmem:s2], [sflag:$0x1], $0x1000, $0x38;
	[tilespmem:$0x1F800] =	vst v63  }
0x53: {  	_ = 	snop  }
0x54: {  	[spmem:s29] =	stream.linear.scatter [tilespmem:s2], [sflag:$0x1], $0x1000, $0x38;
	[tilespmem:$0x1F800] =	vst v63  }
0x55: {  	_ = 	snop  }
0x56: {  	[spmem:s30] =	stream.linear.scatter [tilespmem:s2], [sflag:$0x1], $0x1000, $0x38;
	[tilespmem:$0x1F800] =	vst v63  }
0x57: {  	_ = 	snop  }
0x58: {  	[spmem:s31] =	stream.linear.scatter [tilespmem:s2], [sflag:$0x1], $0x1000, $0x38;
	[tilespmem:$0x1F800] =	vst v63  }
0x59: {  	_ =	swait.ge [sflag:s4], $0x1000  }
0x5a: {  	[sflag:s4] =	ssyncset.done $0x0  }
0x5b: {  	[sflag:s4] =	ssyncadd.s32 $0xFFFFF000  }
0x5c: {  	_ =	swait.ge [sflag:s4], $0x1000  }
0x5d: {  	[sflag:s4] =	ssyncset.done $0x0  }
0x5e: {  	[sflag:s4] =	ssyncadd.s32 $0xFFFFF000  }
0x5f: {  	_ =	swait.ge [sflag:s4], $0x1000  }
0x60: {  	[sflag:s4] =	ssyncset.done $0x0  }
0x61: {  	[sflag:s4] =	ssyncadd.s32 $0xFFFFF000  }
0x62: {  	_ =	swait.ge [sflag:s4], $0x1000  }
0x63: {  	[sflag:s4] =	ssyncset.done $0x0  }
0x64: {  	[sflag:s4] =	ssyncadd.s32 $0xFFFFF000  }
0x65: {  	_ =	swait.ge [sflag:s4], $0x1000  }
0x66: {  	[sflag:s4] =	ssyncset.done $0x0  }
0x67: {  	[sflag:s4] =	ssyncadd.s32 $0xFFFFF000  }
0x68: {  	_ =	swait.ge [sflag:s4], $0x1000  }
0x69: {  	[sflag:s4] =	ssyncset.done $0x0  }
0x6a: {  	[sflag:s4] =	ssyncadd.s32 $0xFFFFF000  }
0x6b: {  	_ =	swait.ge [sflag:s4], $0x1000  }
0x6c: {  	[sflag:s4] =	ssyncset.done $0x0  }
0x6d: {  	[sflag:s4] =	ssyncadd.s32 $0xFFFFF000  }
0x6e: {  	_ =	swait.ge [sflag:s4], $0x1000  }
0x6f: {  	[sflag:s4] =	ssyncset.done $0x0  }
0x70: {  	[sflag:s4] =	ssyncadd.s32 $0xFFFFF000  }
0x71: {  	_ =	swait.ge [sflag:s4], $0x1000  }
0x72: {  	[sflag:s4] =	ssyncset.done $0x0  }
0x73: {  	[sflag:s4] =	ssyncadd.s32 $0xFFFFF000  }
0x74: {  	_ =	swait.ge [sflag:s4], $0x1000  }
0x75: {  	[sflag:s4] =	ssyncset.done $0x0  }
0x76: {  	[sflag:s4] =	ssyncadd.s32 $0xFFFFF000  }
0x77: {  	_ =	swait.ge [sflag:s4], $0x1000  }
0x78: {  	[sflag:s4] =	ssyncset.done $0x0  }
0x79: {  	[sflag:s4] =	ssyncadd.s32 $0xFFFFF000  }
0x7a: {  	_ =	swait.ge [sflag:s4], $0x1000  }
0x7b: {  	[sflag:s4] =	ssyncset.done $0x0  }
0x7c: {  	[sflag:s4] =	ssyncadd.s32 $0xFFFFF000  }
0x7d: {  	_ =	swait.ge [sflag:s4], $0x1000  }
0x7e: {  	[sflag:s4] =	ssyncset.done $0x0  }
0x7f: {  	[sflag:s4] =	ssyncadd.s32 $0xFFFFF000  }
0x80: {  	_ =	swait.ge [sflag:s4], $0x1000  }
0x81: {  	[sflag:s4] =	ssyncset.done $0x0  }
0x82: {  	[sflag:s4] =	ssyncadd.s32 $0xFFFFF000  }
0x83: {  	_ =	swait.ge [sflag:s4], $0x1000  }
0x84: {  	[sflag:s4] =	ssyncset.done $0x0  }
0x85: {  	[sflag:s4] =	ssyncadd.s32 $0xFFFFF000  }
0x86: {  	_ =	swait.ge [sflag:s4], $0x1000  }
0x87: {  	[sflag:s4] =	ssyncset.done $0x0  }
0x88: {  	[sflag:s4] =	ssyncadd.s32 $0xFFFFF000  }
0x89: {  	_ =	swait.ge [sflag:s4], $0x1000  }
0x8a: {  	[sflag:s4] =	ssyncset.done $0x0  }
0x8b: {  	[sflag:s4] =	ssyncadd.s32 $0xFFFFF000  }
0x8c: {  	_ =	swait.ge [sflag:s4], $0x1000  }
0x8d: {  	[sflag:s4] =	ssyncset.done $0x0  }
0x8e: {  	[sflag:s4] =	ssyncadd.s32 $0xFFFFF000  }
0x8f: {  	_ =	swait.ge [sflag:s4], $0x1000  }
0x90: {  	[sflag:s4] =	ssyncset.done $0x0  }
0x91: {  	[sflag:s4] =	ssyncadd.s32 $0xFFFFF000  }
0x92: {  	_ =	swait.ge [sflag:s4], $0x1000  }
0x93: {  	[sflag:s4] =	ssyncset.done $0x0  }
0x94: {  	[sflag:s4] =	ssyncadd.s32 $0xFFFFF000  }
0x95: {  	[bflag:$0x0] =	sbarrier.arrive $0xFFFF  }
0x96: {  	_ =	swait.ge [sflag:s5], $0x1400  }
0x97: {  	[sflag:s5] =	ssyncset.done $0x0  }
0x98: {  	[sflag:s5] =	ssyncadd.s32 $0xFFFFEC00  }
0x99: {  	_ =	swait.ge [sflag:s5], $0x1400  }
0x9a: {  	[sflag:s5] =	ssyncset.done $0x0  }
0x9b: {  	s20 =	simm.s32 $0x0;
	[sflag:s5] =	ssyncadd.s32 $0xFFFFEC00  }
0x9c: {  	[tilespmem:s8], [sflag:$0x1] =	stream.indirect.gather [hbm4b:s1+s6], $0x80, s20, s6, $0xb8;
	[tilespmem:$0x1F800] =	vst v63  }
0x9d: {  	s16 =	simm.s32 $0x80  }
0x9e: {  	[tilespmem:s9], [sflag:$0x2] =	stream.indirect.gather [hbm4b:s1+s6], $0x80, s16, s6, $0xb8;
	[tilespmem:$0x1F800] =	vst v63  }
0x9f: {  	_ =	swait.ge [sflag:s4], $0x4000  }
0xa0: {  	[sflag:s4] =	ssyncset.done $0x0  }
0xa1: {  	s17 =	simm.s32 $0x1400;
	[sflag:s4] =	ssyncadd.s32 $0xFFFFC000  }
0xa2: {  	[spmem:s3] =	stream.indirect.scatter.add.f32 [tilespmem:s8], [sflag:$0x3], $0x80, s17, s6, $0xb8;
	[tilespmem:$0x1F800] =	vst v63  }
0xa3: {  	_ =	swait.ge [sflag:s10], $0x4000  }
0xa4: {  	[sflag:s10] =	ssyncset.done $0x0  }
0xa5: {  	s19 =	simm.s32 $0x100;
	[sflag:s10] =	ssyncadd.s32 $0xFFFFC000  }
0xa6: {  	[tilespmem:s8], [sflag:$0x1] =	stream.indirect.gather [hbm4b:s1+s6], $0x80, s19, s6, $0xb8;
	[tilespmem:$0x1F800] =	vst v63  }
0xa7: {  	_ =	swait.ge [sflag:s5], $0x4000  }
0xa8: {  	[sflag:s5] =	ssyncset.done $0x0  }
0xa9: {  	s20 =	simm.s32 $0x1480;
	[sflag:s5] =	ssyncadd.s32 $0xFFFFC000  }
0xaa: {  	[spmem:s3] =	stream.indirect.scatter.add.f32 [tilespmem:s9], [sflag:$0x3], $0x80, s20, s6, $0xb8;
	[tilespmem:$0x1F800] =	vst v63  }
0xab: {  	_ =	swait.ge [sflag:s10], $0x4000  }
0xac: {  	s11 =	simm.s32 $0x800;
	s16 =	simm.s32 $0x100;
	[sflag:s10] =	ssyncset.done $0x0  }
.LBB2_4:
0xad: {  	s17 =	sadd.s32 $0x80, s16  }
0xae: {  	[sflag:s10] =	ssyncadd.s32 $0xFFFFC000;
	s19 =	smov.u32 s11;
	s20 =	sadd.s32 $0x400, s11  }
0xaf: {  	[tilespmem:s9], [sflag:$0x2] =	stream.indirect.gather [hbm4b:s1+s6], $0x80, s17, s6, $0xb8;
	[tilespmem:$0x1F800] =	vst v63  }
0xb0: {  	p0 =	sne.s32 s11, $0x4800;
	_ =	swait.ge [sflag:s4], $0x4000  }
0xb1: {  	[sflag:s4] =	ssyncset.done $0x0  }
0xb2: {  	s11 =	sadd.s32 $0x1400, s16;
	[sflag:s4] =	ssyncadd.s32 $0xFFFFC000  }
0xb3: {  	[spmem:s3] =	stream.indirect.scatter.add.f32 [tilespmem:s8], [sflag:$0x3], $0x80, s11, s6, $0xb8;
	[tilespmem:$0x1F800] =	vst v63  }
0xb4: {  	_ =	swait.ge [sflag:s10], $0x4000  }
0xb5: {  	[sflag:s10] =	ssyncset.done $0x0  }
0xb6: {  	s11 =	sadd.s32 $0x100, s16;
	[sflag:s10] =	ssyncadd.s32 $0xFFFFC000  }
0xb7: {  	[tilespmem:s8], [sflag:$0x1] =	stream.indirect.gather [hbm4b:s1+s6], $0x80, s11, s6, $0xb8;
	[tilespmem:$0x1F800] =	vst v63  }
0xb8: {  	_ =	swait.ge [sflag:s5], $0x4000  }
.Ltmp1:
0xb9: {  	[sflag:s5] =	ssyncset.done $0x0;
	(pc) =	sbr.rel @p0 .LBB2_4-.Ltmp1, $4  }
0xba: {  	s11 =	sadd.s32 $0x1480, s16;
	[sflag:s5] =	ssyncadd.s32 $0xFFFFC000  }
0xbb: {  	[spmem:s3] =	stream.indirect.scatter.add.f32 [tilespmem:s9], [sflag:$0x3], $0x80, s11, s6, $0xb8;
	[tilespmem:$0x1F800] =	vst v63  }
0xbc: {  	_ =	swait.ge [sflag:s10], $0x4000  }
0xbd: {  	s16 =	sshra.s32 s19, $0x2;
	s11 =	smov.u32 s20;
	[sflag:s10] =	ssyncset.done $0x0  }
0xbe: {  	s11 =	sadd.s32 $0x80, s16;
	[sflag:s10] =	ssyncadd.s32 $0xFFFFC000  }
0xbf: {  	[tilespmem:s9], [sflag:$0x2] =	stream.indirect.gather [hbm4b:s1+s6], $0x80, s11, s6, $0xb8;
	[tilespmem:$0x1F800] =	vst v63  }
0xc0: {  	_ =	swait.ge [sflag:s4], $0x4000  }
0xc1: {  	[sflag:s4] =	ssyncset.done $0x0  }
0xc2: {  	s19 =	sadd.s32 $0x1400, s16;
	[sflag:s4] =	ssyncadd.s32 $0xFFFFC000  }
0xc3: {  	[spmem:s3] =	stream.indirect.scatter.add.f32 [tilespmem:s8], [sflag:$0x3], $0x80, s19, s6, $0xb8;
	[tilespmem:$0x1F800] =	vst v63  }
0xc4: {  	_ =	swait.ge [sflag:s10], $0x4000  }
0xc5: {  	[sflag:s10] =	ssyncset.done $0x0  }
0xc6: {  	s20 =	sadd.s32 $0x100, s16;
	[sflag:s10] =	ssyncadd.s32 $0xFFFFC000  }
0xc7: {  	[tilespmem:s8], [sflag:$0x1] =	stream.indirect.gather [hbm4b:s1+s6], $0x80, s20, s6, $0xb8;
	[tilespmem:$0x1F800] =	vst v63  }
0xc8: {  	_ =	swait.ge [sflag:s5], $0x4000  }
0xc9: {  	[sflag:s5] =	ssyncset.done $0x0  }
0xca: {  	s16 =	sadd.s32 $0x1480, s16;
	[sflag:s5] =	ssyncadd.s32 $0xFFFFC000  }
0xcb: {  	[spmem:s3] =	stream.indirect.scatter.add.f32 [tilespmem:s9], [sflag:$0x3], $0x80, s16, s6, $0xb8;
	[tilespmem:$0x1F800] =	vst v63  }
0xcc: {  	_ =	swait.ge [sflag:s10], $0x4000  }
0xcd: {  	[sflag:s10] =	ssyncset.done $0x0  }
0xce: {  	[sflag:s10] =	ssyncadd.s32 $0xFFFFC000  }
0xcf: {  	[tilespmem:s9], [sflag:$0x2] =	stream.indirect.gather [hbm4b:s1+s6], $0x80, s12, s6, $0xb8;
	[tilespmem:$0x1F800] =	vst v63  }
0xd0: {  	_ =	swait.ge [sflag:s4], $0x4000  }
0xd1: {  	[sflag:s4] =	ssyncset.done $0x0  }
0xd2: {  	[sflag:s4] =	ssyncadd.s32 $0xFFFFC000  }
0xd3: {  	[spmem:s3] =	stream.indirect.scatter.add.f32 [tilespmem:s8], [sflag:$0x3], $0x80, s13, s6, $0xb8;
	[tilespmem:$0x1F800] =	vst v63  }
0xd4: {  	_ =	swait.ge [sflag:s10], $0x4000  }
0xd5: {  	[sflag:s10] =	ssyncset.done $0x0  }
0xd6: {  	[sflag:s10] =	ssyncadd.s32 $0xFFFFC000  }
0xd7: {  	_ =	swait.ge [sflag:s5], $0x4000  }
0xd8: {  	[sflag:s5] =	ssyncset.done $0x0  }
0xd9: {  	[sflag:s5] =	ssyncadd.s32 $0xFFFFC000  }
0xda: {  	[spmem:s3] =	stream.indirect.scatter.add.f32 [tilespmem:s9], [sflag:$0x3], $0x80, s14, s6, $0xb8;
	[tilespmem:$0x1F800] =	vst v63  }
0xdb: {  	_ =	swait.ge [sflag:s10], $0x4000  }
0xdc: {  	[sflag:s10] =	ssyncset.done $0x0  }
0xdd: {  	s17 =	simm.s32 $0x0;
	s19 =	rddreg [dreg:$0x7];
	[sflag:s10] =	ssyncadd.s32 $0xFFFFC000  }
0xde: {  	[tilespmem:s17], [sflag:$0x3] =	stream.linear.gather [hbm4b:s19+s17], $0x1400, $0x38;
	[tilespmem:$0x1F800] =	vst v63  }
0xdf: {  	_ =	swait.ge [sflag:s10], $0x1400  }
0xe0: {  	[sflag:s10] =	ssyncset.done $0x0  }
0xe1: {  	s20 =	rddreg [dreg:$0x8];
	[sflag:s10] =	ssyncadd.s32 $0xFFFFEC00  }
0xe2: {  	[tilespmem:s0], [sflag:$0x3] =	stream.linear.gather [hbm4b:s20+s17], $0x1400, $0x38;
	[tilespmem:$0x1F800] =	vst v63  }
0xe3: {  	_ =	swait.ge [sflag:s10], $0x1400  }
0xe4: {  	[sflag:s10] =	ssyncset.done $0x0  }
0xe5: {  	[sflag:s10] =	ssyncadd.s32 $0xFFFFEC00  }
0xe6: {  	[tilespmem:s8], [sflag:$0x1] =	stream.indirect.gather [hbm4b:s1+s6], $0x80, s17, s6, $0xb8;
	[tilespmem:$0x1F800] =	vst v63  }
0xe7: {  	s16 =	simm.s32 $0x80  }
0xe8: {  	[tilespmem:s9], [sflag:$0x2] =	stream.indirect.gather [hbm4b:s1+s6], $0x80, s16, s6, $0xb8;
	[tilespmem:$0x1F800] =	vst v63  }
0xe9: {  	_ =	swait.ge [sflag:s4], $0x4000  }
0xea: {  	[sflag:s4] =	ssyncset.done $0x0  }
0xeb: {  	s17 =	simm.s32 $0x1400;
	[sflag:s4] =	ssyncadd.s32 $0xFFFFC000  }
0xec: {  	[spmem:s3] =	stream.indirect.scatter.add.f32 [tilespmem:s8], [sflag:$0x3], $0x80, s17, s6, $0xb8;
	[tilespmem:$0x1F800] =	vst v63  }
0xed: {  	_ =	swait.ge [sflag:s10], $0x4000  }
0xee: {  	[sflag:s10] =	ssyncset.done $0x0  }
0xef: {  	s19 =	simm.s32 $0x100;
	[sflag:s10] =	ssyncadd.s32 $0xFFFFC000  }
0xf0: {  	[tilespmem:s8], [sflag:$0x1] =	stream.indirect.gather [hbm4b:s1+s6], $0x80, s19, s6, $0xb8;
	[tilespmem:$0x1F800] =	vst v63  }
0xf1: {  	_ =	swait.ge [sflag:s5], $0x4000  }
0xf2: {  	[sflag:s5] =	ssyncset.done $0x0  }
0xf3: {  	s20 =	simm.s32 $0x1480;
	[sflag:s5] =	ssyncadd.s32 $0xFFFFC000  }
0xf4: {  	[spmem:s3] =	stream.indirect.scatter.add.f32 [tilespmem:s9], [sflag:$0x3], $0x80, s20, s6, $0xb8;
	[tilespmem:$0x1F800] =	vst v63  }
0xf5: {  	_ =	swait.ge [sflag:s10], $0x4000  }
0xf6: {  	s11 =	simm.s32 $0x800;
	s16 =	simm.s32 $0x100;
	[sflag:s10] =	ssyncset.done $0x0  }
.LBB2_6:
0xf7: {  	s17 =	sadd.s32 $0x80, s16  }
0xf8: {  	[sflag:s10] =	ssyncadd.s32 $0xFFFFC000;
	s19 =	smov.u32 s11;
	s20 =	sadd.s32 $0x400, s11  }
0xf9: {  	[tilespmem:s9], [sflag:$0x2] =	stream.indirect.gather [hbm4b:s1+s6], $0x80, s17, s6, $0xb8;
	[tilespmem:$0x1F800] =	vst v63  }
0xfa: {  	p0 =	sne.s32 s11, $0x4800;
	_ =	swait.ge [sflag:s4], $0x4000  }
0xfb: {  	[sflag:s4] =	ssyncset.done $0x0  }
0xfc: {  	s11 =	sadd.s32 $0x1400, s16;
	[sflag:s4] =	ssyncadd.s32 $0xFFFFC000  }
0xfd: {  	[spmem:s3] =	stream.indirect.scatter.add.f32 [tilespmem:s8], [sflag:$0x3], $0x80, s11, s6, $0xb8;
	[tilespmem:$0x1F800] =	vst v63  }
0xfe: {  	_ =	swait.ge [sflag:s10], $0x4000  }
0xff: {  	[sflag:s10] =	ssyncset.done $0x0  }
0x100: {  	s11 =	sadd.s32 $0x100, s16;
	[sflag:s10] =	ssyncadd.s32 $0xFFFFC000  }
0x101: {  	[tilespmem:s8], [sflag:$0x1] =	stream.indirect.gather [hbm4b:s1+s6], $0x80, s11, s6, $0xb8;
	[tilespmem:$0x1F800] =	vst v63  }
0x102: {  	_ =	swait.ge [sflag:s5], $0x4000  }
.Ltmp2:
0x103: {  	[sflag:s5] =	ssyncset.done $0x0;
	(pc) =	sbr.rel @p0 .LBB2_6-.Ltmp2, $4  }
0x104: {  	s11 =	sadd.s32 $0x1480, s16;
	[sflag:s5] =	ssyncadd.s32 $0xFFFFC000  }
0x105: {  	[spmem:s3] =	stream.indirect.scatter.add.f32 [tilespmem:s9], [sflag:$0x3], $0x80, s11, s6, $0xb8;
	[tilespmem:$0x1F800] =	vst v63  }
0x106: {  	_ =	swait.ge [sflag:s10], $0x4000  }
0x107: {  	s16 =	sshra.s32 s19, $0x2;
	s11 =	smov.u32 s20;
	[sflag:s10] =	ssyncset.done $0x0  }
0x108: {  	s11 =	sadd.s32 $0x80, s16;
	[sflag:s10] =	ssyncadd.s32 $0xFFFFC000  }
0x109: {  	[tilespmem:s9], [sflag:$0x2] =	stream.indirect.gather [hbm4b:s1+s6], $0x80, s11, s6, $0xb8;
	[tilespmem:$0x1F800] =	vst v63  }
0x10a: {  	_ =	swait.ge [sflag:s4], $0x4000  }
0x10b: {  	[sflag:s4] =	ssyncset.done $0x0  }
0x10c: {  	s20 =	sadd.s32 $0x1400, s16;
	[sflag:s4] =	ssyncadd.s32 $0xFFFFC000  }
0x10d: {  	[spmem:s3] =	stream.indirect.scatter.add.f32 [tilespmem:s8], [sflag:$0x3], $0x80, s20, s6, $0xb8;
	[tilespmem:$0x1F800] =	vst v63  }
0x10e: {  	_ =	swait.ge [sflag:s10], $0x4000  }
0x10f: {  	[sflag:s10] =	ssyncset.done $0x0  }
0x110: {  	s17 =	sadd.s32 $0x100, s16;
	[sflag:s10] =	ssyncadd.s32 $0xFFFFC000  }
0x111: {  	[tilespmem:s8], [sflag:$0x1] =	stream.indirect.gather [hbm4b:s1+s6], $0x80, s17, s6, $0xb8;
	[tilespmem:$0x1F800] =	vst v63  }
0x112: {  	_ =	swait.ge [sflag:s5], $0x4000  }
0x113: {  	[sflag:s5] =	ssyncset.done $0x0  }
0x114: {  	s19 =	sadd.s32 $0x1480, s16;
	[sflag:s5] =	ssyncadd.s32 $0xFFFFC000  }
0x115: {  	[spmem:s3] =	stream.indirect.scatter.add.f32 [tilespmem:s9], [sflag:$0x3], $0x80, s19, s6, $0xb8;
	[tilespmem:$0x1F800] =	vst v63  }
0x116: {  	_ =	swait.ge [sflag:s10], $0x4000  }
0x117: {  	[sflag:s10] =	ssyncset.done $0x0  }
0x118: {  	[sflag:s10] =	ssyncadd.s32 $0xFFFFC000  }
0x119: {  	[tilespmem:s9], [sflag:$0x2] =	stream.indirect.gather [hbm4b:s1+s6], $0x80, s12, s6, $0xb8;
	[tilespmem:$0x1F800] =	vst v63  }
0x11a: {  	_ =	swait.ge [sflag:s4], $0x4000  }
0x11b: {  	[sflag:s4] =	ssyncset.done $0x0  }
0x11c: {  	[sflag:s4] =	ssyncadd.s32 $0xFFFFC000  }
0x11d: {  	[spmem:s3] =	stream.indirect.scatter.add.f32 [tilespmem:s8], [sflag:$0x3], $0x80, s13, s6, $0xb8;
	[tilespmem:$0x1F800] =	vst v63  }
0x11e: {  	_ =	swait.ge [sflag:s10], $0x4000  }
0x11f: {  	[sflag:s10] =	ssyncset.done $0x0  }
0x120: {  	[sflag:s10] =	ssyncadd.s32 $0xFFFFC000  }
0x121: {  	_ =	swait.ge [sflag:s5], $0x4000  }
0x122: {  	[sflag:s5] =	ssyncset.done $0x0  }
0x123: {  	[sflag:s5] =	ssyncadd.s32 $0xFFFFC000  }
0x124: {  	[spmem:s3] =	stream.indirect.scatter.add.f32 [tilespmem:s9], [sflag:$0x3], $0x80, s14, s6, $0xb8;
	[tilespmem:$0x1F800] =	vst v63  }
0x125: {  	s20 =	stileid.u32;
	_ =	swait.ge [sflag:s10], $0x4000  }
0x126: {  	s16 =	simm.s32 $0x200;
	s11 =	sshll.u32 s20, $0x6;
	[sflag:s10] =	ssyncset.done $0x0  }
0x127: {  	s20 =	sshrl.u32 s7, $0x3;
	s17 =	sor.u32 $0x1C01, s11;
	[sflag:s10] =	ssyncadd.s32 $0xFFFFC000  }
0x128: {  	s11 =	smov.u32 s18;
	s19 =	sadd.s32 $0x0, s25;
	[bflag:$0x0] =	sbarrier.arrive $0xFFFF  }
.LBB2_8:
0x129: {  	[hbm:s19], [sflag:s17] =	dma.local [spmem:s20], $0x200  }
0x12a: {  	s19 =	smov.u32 s16;
	s20 =	smov.u32 s11;
	p0 =	sne.s32 s16, $0x2600  }
.Ltmp3:
0x12b: {  	s16 =	sadd.s32 $0x200, s16;
	(pc) =	sbr.rel @p0 .LBB2_8-.Ltmp3, $3  }
0x12c: {  	_ =	sdelay $0x1  }
0x12d: {  	s11 =	sadd.s32 $0x1000, s11  }
0x12e: {  	s19 =	sadd.s32 s19, s25;
	s20 =	sshrl.u32 s20, $0x3  }
0x12f: {  	[hbm:s19], [sflag:s17] =	dma.local [spmem:s20], $0x200  }
0x130: {  	_ =	swait.ge [sflag:s4], $0x200  }
0x131: {  	[sflag:s4] =	ssyncset.done $0x0  }
0x132: {  	[sflag:s4] =	ssyncadd.s32 $0xFFFFFE00  }
0x133: {  	_ =	swait.ge [sflag:s4], $0x200  }
0x134: {  	[sflag:s4] =	ssyncset.done $0x0  }
0x135: {  	[sflag:s4] =	ssyncadd.s32 $0xFFFFFE00  }
0x136: {  	_ =	swait.ge [sflag:s4], $0x200  }
0x137: {  	[sflag:s4] =	ssyncset.done $0x0  }
0x138: {  	[sflag:s4] =	ssyncadd.s32 $0xFFFFFE00  }
0x139: {  	_ =	swait.ge [sflag:s4], $0x200  }
0x13a: {  	[sflag:s4] =	ssyncset.done $0x0  }
0x13b: {  	[sflag:s4] =	ssyncadd.s32 $0xFFFFFE00  }
0x13c: {  	_ =	swait.ge [sflag:s4], $0x200  }
0x13d: {  	[sflag:s4] =	ssyncset.done $0x0  }
0x13e: {  	[sflag:s4] =	ssyncadd.s32 $0xFFFFFE00  }
0x13f: {  	_ =	swait.ge [sflag:s4], $0x200  }
0x140: {  	[sflag:s4] =	ssyncset.done $0x0  }
0x141: {  	[sflag:s4] =	ssyncadd.s32 $0xFFFFFE00  }
0x142: {  	_ =	swait.ge [sflag:s4], $0x200  }
0x143: {  	[sflag:s4] =	ssyncset.done $0x0  }
0x144: {  	[sflag:s4] =	ssyncadd.s32 $0xFFFFFE00  }
0x145: {  	_ =	swait.ge [sflag:s4], $0x200  }
0x146: {  	[sflag:s4] =	ssyncset.done $0x0  }
0x147: {  	[sflag:s4] =	ssyncadd.s32 $0xFFFFFE00  }
0x148: {  	_ =	swait.ge [sflag:s4], $0x200  }
0x149: {  	[sflag:s4] =	ssyncset.done $0x0  }
0x14a: {  	[sflag:s4] =	ssyncadd.s32 $0xFFFFFE00  }
0x14b: {  	_ =	swait.ge [sflag:s4], $0x200  }
0x14c: {  	[sflag:s4] =	ssyncset.done $0x0  }
0x14d: {  	[sflag:s4] =	ssyncadd.s32 $0xFFFFFE00  }
0x14e: {  	_ =	swait.ge [sflag:s4], $0x200  }
0x14f: {  	[sflag:s4] =	ssyncset.done $0x0  }
0x150: {  	[sflag:s4] =	ssyncadd.s32 $0xFFFFFE00  }
0x151: {  	_ =	swait.ge [sflag:s4], $0x200  }
0x152: {  	[sflag:s4] =	ssyncset.done $0x0  }
0x153: {  	[sflag:s4] =	ssyncadd.s32 $0xFFFFFE00  }
0x154: {  	_ =	swait.ge [sflag:s4], $0x200  }
0x155: {  	[sflag:s4] =	ssyncset.done $0x0  }
0x156: {  	[sflag:s4] =	ssyncadd.s32 $0xFFFFFE00  }
0x157: {  	_ =	swait.ge [sflag:s4], $0x200  }
0x158: {  	[sflag:s4] =	ssyncset.done $0x0  }
0x159: {  	[sflag:s4] =	ssyncadd.s32 $0xFFFFFE00  }
0x15a: {  	_ =	swait.ge [sflag:s4], $0x200  }
0x15b: {  	[sflag:s4] =	ssyncset.done $0x0  }
0x15c: {  	[sflag:s4] =	ssyncadd.s32 $0xFFFFFE00  }
0x15d: {  	_ =	swait.ge [sflag:s4], $0x200  }
0x15e: {  	[sflag:s4] =	ssyncset.done $0x0  }
0x15f: {  	[sflag:s4] =	ssyncadd.s32 $0xFFFFFE00  }
0x160: {  	_ =	swait.ge [sflag:s4], $0x200  }
0x161: {  	[sflag:s4] =	ssyncset.done $0x0  }
0x162: {  	[sflag:s4] =	ssyncadd.s32 $0xFFFFFE00  }
0x163: {  	_ =	swait.ge [sflag:s4], $0x200  }
0x164: {  	[sflag:s4] =	ssyncset.done $0x0  }
0x165: {  	[sflag:s4] =	ssyncadd.s32 $0xFFFFFE00  }
0x166: {  	_ =	swait.ge [sflag:s4], $0x200  }
0x167: {  	[sflag:s4] =	ssyncset.done $0x0  }
0x168: {  	[sflag:s4] =	ssyncadd.s32 $0xFFFFFE00  }
0x169: {  	_ =	swait.ge [sflag:s4], $0x200  }
0x16a: {  	s15 =	sadd.s32 $0x1, s15;
	s11 =	rddreg [dreg:$0x9]  }
0x16b: {  	p0 =	sne.s32 s15, s11  }
.Ltmp4:
0x16c: {  	_ = 	snop;
	(pc) =	sbr.rel @p0 .LBB2_1-.Ltmp4, $3  }
0x16d: {  	_ =	sdelay $0x1  }
0x16e: {  	[sflag:s4] =	ssyncset.done $0x0  }
0x16f: {  	[sflag:s4] =	ssyncadd.s32 $0xFFFFFE00  }
0x170: {  	_ =	sfence.sel $0x180000  }
0x171: {  	[bflag:$0x0] =	sbarrier.arrive $0xFFFF  }
0x172: {  	_ =	strace $0x90000047  }
0x173: {  	s0 =	stileid.u32;
	[bflag:$0x2] =	sbarrier.arrive $0xFFFF  }
0x174: {  	p0 =	sne.s32 s0, $0x0;
	s0 =	rddreg [dreg:$0x4]  }
0x175: {  	s0 =	sadd.s32 @!p0 $0x100000, s0  }
0x176: {  	[sflag:s0] =	ssyncadd.tile.s32 @!p0 $0x1;
	_ =	shalt  }
.Lfunc_end2:
_tile_overlayer_lowered:
.L_overlay_start_2:
0x177: {  	(tag) =	ssettag $0x2  }
0x178: {  	s0 =	rddreg [dreg:$0x0];
	s2 =	stileid.u32  }
0x179: {  	s1 =	rddreg [dreg:$0x1];
	p0 =	sne.s32 s2, $0x0  }
0x17a: {  	s3 =	rddreg [dreg:$0x2];
	[bflag:$0x3] =	sbarrier.arrive $0xFFFF;
	s2 =	simm.s32 @!p0 $0x1C03  }
0x17b: {  	[timem:s3], [sflag:s2] =	dma.local @!p0 [hbm:s0], s1  }
0x17c: {  	s0 =	simm.s32 @!p0 $0x3  }
0x17d: {  	_ =	swait.ge @!p0 [sflag:s0], s1  }
0x17e: {  	s1 =	ssub.s32 @!p0 $0x0, s1;
	[sflag:s0] =	ssyncset.done @!p0 $0x0  }
0x17f: {  	[sflag:s0] =	ssyncadd.s32 @!p0 s1  }
0x180: {  	[bflag:$0x3] =	sbarrier.arrive $0xFFFF  }
0x181: {  	_ =	shalt  }

// kernel: kernel.9.cloned.1.call-start
scs
__scs_entry_jumppad:
0x0: {  	(pc) =	sbr.rel $0x88, $3  }
0x1: {  	(tag) =	ssettag $0x0;
	lr =	simm.s32 $0x1  }
0x2: {  	[smem:$0x3F9C] =	sst lr;
	_ =	strace $0xD0000000  }
0x3: {  	_ = 	snop  }
0x4: {  	_ = 	snop  }
0x5: {  	_ = 	snop  }
0x6: {  	_ = 	snop  }
0x7: {  	_ = 	snop  }
__scs_overlays_trampoline_lowered:
0x8: {  	[smem:$0x3FAB] =	sst s0  }
0x9: {  	[smem:$0x3FAC] =	sst s1  }
0xa: {  	[smem:$0x3FAD] =	sst s2  }
0xb: {  	[smem:$0x3FAE] =	sst s3  }
0xc: {  	[smem:$0x3FAF] =	sst s4  }
0xd: {  	[smem:$0x3FB0] =	sst s5  }
0xe: {  	[smem:$0x3FB1] =	sst s6  }
0xf: {  	[smem:$0x3FB2] =	sst s7  }
0x10: {  	[smem:$0x3FB3] =	sst s8  }
0x11: {  	[smem:$0x3FB4] =	sst s9;
	s0 =	simm.s32 @!p0 $0x0  }
0x12: {  	s1 =	sld [smem:$0x3F9A];
	s0 =	simm.s32 @p0 $0x1  }
0x13: {  	[smem:$0x3FB5] =	sst s0;
	s0 =	simm.s32 @!p1 $0x0  }
0x14: {  	s2 =	sld [smem:$0x3F99];
	s0 =	simm.s32 @p1 $0x1  }
0x15: {  	[smem:$0x3FB6] =	sst s0;
	s0 =	simm.s32 @!p2 $0x0  }
0x16: {  	s3 =	sld [smem:$0x3FDB];
	s0 =	simm.s32 @p2 $0x1  }
0x17: {  	s4 =	simm.s32 $0x1BF5;
	[smem:$0x3FB8] =	sst s0  }
0x18: {  	s0 =	sld [smem:$0x3F9B];
	_ =	swait.ge [sflag:s4], $0x0  }
0x19: {  	s7 =	sld [smem:$0x3F9C]  }
0x1a: {  	s8 =	sadd.s32 $0xFFFFE003, lr  }
0x1b: {  	s9 =	sadd.s32 $0xFFFFFEF7, lr;
	s5 =	simm.s32 $0xFFFFFFFF;
	p2 =	slt.u32 s8, $0xFFFFF086  }
0x1c: {  	p1 =	slt.u32 s9, $0xF7A;
	s5 =	simm.s32 @!p2 $0x0  }
0x1d: {  	s5 =	simm.s32 @p1 $0x1;
	p0 =	seq.s32 s7, s2  }
0x1e: {  	s7 =	smul.u32 @!p0 $0xF7A, s2;
	p2 =	seq.s32 @!p0 s5, $0x0  }
0x1f: {  	s9 =	smul.u32 $0xF7A, s1;
	s8 =	simm.s32 @!p0 $0x1BF5;
	p2 =	por !p2, p0  }
0x20: {  	[sflag:s8] =	ssyncset.s32 @!p0 $0xFFFFF086;
	s6 =	sadd.s32 @!p0 s3, s7;
	s7 =	simm.s32 @!p0 $0x108  }
0x21: {  	s3 =	sadd.s32 s3, s9;
	s6 =	sadd.s32 @!p0 $0x88, s6;
	s7 =	simm.s32 @p2 $0x1082  }
0x22: {  	[simem:s7], [sflag:s8] =	dma.local @!p0 [hbm:s6], $0xF7A  }
0x23: {  	s9 =	sor.u32 $0xD0000000, s2;
	s6 =	simm.s32 $0x108;
	_ =	swait.ge @!p0 [sflag:s8], $0x0  }
0x24: {  	s3 =	sadd.s32 $0x88, s3;
	s6 =	simm.s32 @!p1 $0x1082;
	[sflag:s4] =	ssyncset.s32 $0xFFFFF086  }
0x25: {  	[simem:s6], [sflag:s4] =	dma.local [hbm:s3], $0xF7A  }
0x26: {  	[smem:$0x3F9C] =	sst s1;
	(tag) =	ssettag s2;
	_ =	strace s9  }
0x27: {  	s1 =	sld [smem:$0x3FAC]  }
0x28: {  	s2 =	sld [smem:$0x3FAD]  }
0x29: {  	s4 =	sld [smem:$0x3FAF]  }
0x2a: {  	p0 =	seq.s32 s5, $0x0;
	s5 =	sld [smem:$0x3FB0]  }
0x2b: {  	s6 =	sld [smem:$0x3FB1]  }
0x2c: {  	s7 =	sld [smem:$0x3FB2]  }
0x2d: {  	s3 =	simm.s32 $0x108;
	s8 =	sld [smem:$0x3FB3]  }
0x2e: {  	s3 =	simm.s32 @!p0 $0x1082;
	s9 =	sld [smem:$0x3FB4]  }
0x2f: {  	lr =	sadd.s32 s0, s3;
	s0 =	sld [smem:$0x3FAB]  }
0x30: {  	s3 =	sld [smem:$0x3FAE]  }
0x31: {  	[smem:$0x3FB7] =	sst s10  }
0x32: {  	s10 =	sld [smem:$0x3FB5];
	_ =	sdelay $0x3  }
0x33: {  	p0 =	seq.s32 s10, $0x1;
	s10 =	sld [smem:$0x3FB7];
	_ =	sdelay $0x3  }
0x34: {  	[smem:$0x3FB7] =	sst s10  }
0x35: {  	s10 =	sld [smem:$0x3FB6];
	_ =	sdelay $0x3  }
0x36: {  	p1 =	seq.s32 s10, $0x1;
	s10 =	sld [smem:$0x3FB7];
	_ =	sdelay $0x3  }
0x37: {  	[smem:$0x3FB7] =	sst s10  }
0x38: {  	s10 =	sld [smem:$0x3FB8]  }
0x39: {  	_ = 	snop;
	(pc) =	sbr.ind lr, $3  }
0x3a: {  	_ = 	snop  }
0x3b: {  	_ = 	snop  }
0x3c: {  	p2 =	seq.s32 s10, $0x1;
	s10 =	sld [smem:$0x3FB7]  }
0x3d: {  	_ =	shalt  }
0x3e: {  	_ =	shalt  }
0x3f: {  	_ =	shalt  }
0x40: {  	_ =	shalt  }
0x41: {  	_ =	shalt  }
0x42: {  	_ =	shalt  }
0x43: {  	_ =	shalt  }
0x44: {  	_ =	shalt  }
0x45: {  	_ =	shalt  }
0x46: {  	_ =	shalt  }
0x47: {  	_ =	shalt  }
0x48: {  	_ =	shalt  }
0x49: {  	_ =	shalt  }
0x4a: {  	_ =	shalt  }
0x4b: {  	_ =	shalt  }
0x4c: {  	_ =	shalt  }
0x4d: {  	_ =	shalt  }
0x4e: {  	_ =	shalt  }
0x4f: {  	_ =	shalt  }
0x50: {  	_ =	shalt  }
0x51: {  	_ =	shalt  }
0x52: {  	_ =	shalt  }
0x53: {  	_ =	shalt  }
0x54: {  	_ =	shalt  }
0x55: {  	_ =	shalt  }
0x56: {  	_ =	shalt  }
0x57: {  	_ =	shalt  }
0x58: {  	_ =	shalt  }
0x59: {  	_ =	shalt  }
0x5a: {  	_ =	shalt  }
0x5b: {  	_ =	shalt  }
0x5c: {  	_ =	shalt  }
0x5d: {  	_ =	shalt  }
0x5e: {  	_ =	shalt  }
0x5f: {  	_ =	shalt  }
0x60: {  	_ =	shalt  }
0x61: {  	_ =	shalt  }
0x62: {  	_ =	shalt  }
0x63: {  	_ =	shalt  }
0x64: {  	_ =	shalt  }
0x65: {  	_ =	shalt  }
0x66: {  	_ =	shalt  }
0x67: {  	_ =	shalt  }
0x68: {  	_ =	shalt  }
0x69: {  	_ =	shalt  }
0x6a: {  	_ =	shalt  }
0x6b: {  	_ =	shalt  }
0x6c: {  	_ =	shalt  }
0x6d: {  	_ =	shalt  }
0x6e: {  	_ =	shalt  }
0x6f: {  	_ =	shalt  }
0x70: {  	_ =	shalt  }
0x71: {  	_ =	shalt  }
0x72: {  	_ =	shalt  }
0x73: {  	_ =	shalt  }
0x74: {  	_ =	shalt  }
0x75: {  	_ =	shalt  }
0x76: {  	_ =	shalt  }
0x77: {  	_ =	shalt  }
0x78: {  	_ =	shalt  }
0x79: {  	_ =	shalt  }
0x7a: {  	_ =	shalt  }
0x7b: {  	_ =	shalt  }
0x7c: {  	_ =	shalt  }
0x7d: {  	_ =	shalt  }
0x7e: {  	_ =	shalt  }
0x7f: {  	_ =	shalt  }
0x80: {  	_ =	shalt  }
0x81: {  	_ =	shalt  }
0x82: {  	_ =	shalt  }
0x83: {  	_ =	shalt  }
0x84: {  	_ =	shalt  }
0x85: {  	_ =	shalt  }
0x86: {  	_ =	shalt  }
0x87: {  	_ =	shalt  }
.Lfunc_end0:
.L_simem_size_0:
called_computation.1_lowered:
.L_overlay_start_0:
0x88: {  	s2 =	sld [smem:$0x3FD9]  }
0x89: {  	s3 =	sld [smem:$0x3FFE];
	_ =	sdelay $0x1  }
0x8a: {  	s1 =	srdreg.scid  }
0x8b: {  	s0 =	sand.u32 $0x1, s1  }
0x8c: {  	s14 =	sshll.u32 s0, $0xA;
	s2 =	sadd.s32 s3, s2  }
0x8d: {  	s2 =	sadd.s32 s2, s14  }
0x8e: {  	[smem:$0x3FC3] =	sst s2  }
0x8f: {  	_ = 	snop  }
0x90: {  	s2 =	sld [smem:$0x3FD0];
	_ =	sdelay $0x2  }
0x91: {  	s15 =	simm.s32 $0xA;
	s4 =	simm.s32 $0x10  }
0x92: {  	[smem:s4], [sflag:s15] =	dma.local [hbm:s2], $0x1  }
0x93: {  	_ =	swait.eq [sflag:s15], $0x1  }
0x94: {  	[sflag:s15] =	ssyncset.done $0x0  }
0x95: {  	s16 =	sld [smem:$0x10];
	[sflag:s15] =	ssyncadd.s32 $0xFFFFFFFF  }
0x96: {  	s17 =	sld [smem:$0x11];
	(tm) =	ssettm $0x1  }
0x97: {  	s18 =	sld [smem:$0x3FFB];
	_ =	sdelay $0x3  }
0x98: {  	_ =	strace s18  }
0x99: {  	s4 =	sld [smem:$0x3FFC];
	_ =	sdelay $0x3  }
0x9a: {  	_ =	strace s4  }
0x9b: {  	s4 =	sld [smem:$0x3FFD];
	_ =	sdelay $0x3  }
0x9c: {  	_ =	strace s4  }
0x9d: {  	_ =	strace $0x8FFFFFFF  }
0x9e: {  	s19 =	sld [smem:$0x3FDB];
	_ =	sdelay $0x1  }
0x9f: {  	s5 =	simm.s32 $_scs_section_size  }
0xa0: {  	s6 =	simm.s32 $_size__tile_overlayer_lowered;
	s7 =	simm.s32 $_tile_overlayer_lowered  }
0xa1: {  	s22 =	simm.s32 $0x1BFF;
	s21 =	sshll.u32 s7, $0x1;
	s4 =	sadd.s32 s5, s19  }
0xa2: {  	s8 =	simm.s32 $0x0;
	s20 =	sshll.u32 s6, $0x1;
	s6 =	sadd.s32 s21, s4  }
0xa3: {  	[timem:s8], [sflag:s22] =	dma.local [hbm:s6], s20  }
0xa4: {  	_ =	swait.ge [sflag:s22], s20  }
0xa5: {  	s5 =	ssub.s32 $0x0, s20;
	[sflag:s22] =	ssyncset.done $0x0  }
0xa6: {  	[sflag:s22] =	ssyncadd.s32 s5;
	_ =	sdelay $0x1  }
0xa7: {  	s23 =	simm.s32 $0x1B8B  }
0xa8: {  	_ =	swait.ge [sflag:s23], $0x1  }
0xa9: {  	[sflag:s23] =	ssyncset.done $0x0  }
0xaa: {  	s25 =	simm.s32 $0x1B8E;
	s24 =	sld [smem:$0x3FFE];
	[sflag:s23] =	ssyncadd.s32 $0xFFFFFFFF  }
0xab: {  	s26 =	simm.s32 $execute0_lowered;
	[smem:$0x3FD2] =	sst s25  }
0xac: {  	s6 =	sshll.u32 s26, $0x1;
	_ =	strace $0x80000049;
	[dreg:$0x1] =	wrdreg $0xFFFFFFFF  }
0xad: {  	s28 =	simm.s32 $_size_execute0_lowered;
	s4 =	sadd.s32 s4, s6;
	[dreg:$0x0] =	wrdreg $0x0  }
0xae: {  	s6 =	sshll.u32 s28, $0x1;
	[dreg:$0x2] =	wrdreg s4  }
0xaf: {  	[dreg:$0x3] =	wrdreg s6  }
0xb0: {  	[dreg:$0x4] =	wrdreg $0xC0  }
0xb1: {  	_ =	task [dreg:s8], $0x5FFFF  }
0xb2: {  	[dreg:$0x1] =	wrdreg $0xFFFFFFFF  }
0xb3: {  	[dreg:$0x0] =	wrdreg $0x60  }
0xb4: {  	[dreg:$0x2] =	wrdreg s17  }
0xb5: {  	[dreg:$0x3] =	wrdreg s16  }
0xb6: {  	[dreg:$0x4] =	wrdreg s24  }
0xb7: {  	[dreg:$0x5] =	wrdreg $0xB8000  }
0xb8: {  	[dreg:$0x6] =	wrdreg $0x9  }
0xb9: {  	_ =	task.clear_ibuf [dreg:s8], $0x7FFFF;
	_ =	strace $0x90000049  }
0xba: {  	s29 =	simm.s32 $0x9;
	_ =	strace $0x8000004B  }
0xbb: {  	_ =	swait.ge [sflag:s29], $0x1  }
0xbc: {  	[sflag:s29] =	ssyncadd.s32 $0xFFFFFFFF  }
0xbd: {  	_ =	strace $0x9000004B  }
0xbe: {  	_ =	sfence  }
0xbf: {  	s30 =	sld [smem:$0x0];
	_ =	sdelay $0x2  }
0xc0: {  	s31 =	sshll.u32 s1, $0xD;
	s1 =	sshrl.u32 s1, $0x2  }
0xc1: {  	s3 =	sand.u32 $0x4000, s31;
	s1 =	sadd.s32 s1, s30  }
0xc2: {  	s0 =	sor.u32 s3, s0;
	s1 =	sshll.u32 s1, $0x11  }
0xc3: {  	s0 =	sor.u32 s1, s0  }
0xc4: {  	s0 =	sadd.s32 $0x8F2B, s0  }
0xc5: {  	[sflag:s0] =	ssyncadd.remote.s32 $0x1  }
0xc6: {  	_ =	sfence.sel $0xFFFF  }
0xc7: {  	[dreg:$0x0] =	wrdreg $0xFFFFFFFF;
	(pc) =	sbr.abs _section_cstart, $3  }
0xc8: {  	[dreg:$0x1] =	wrdreg $0xFFFFFFFF  }
0xc9: {  	_ =	task.clear_ibuf [dreg:s8], $0x2FFFF;
	_ =	strace $0x9FFFFFFF  }
0xca: {  	(tm) =	ssettm $0x7FFFFFFF  }
0xcb: {  	_ =	shalt  }
tec
execute0_lowered:
.L_overlay_start_1:
0x0: {  	(tag) =	ssettag $0x1  }
0x1: {  	s1 =	rddreg [dreg:$0x0]  }
0x2: {  	s0 =	rddreg [dreg:$0x1]  }
0x3: {  	s2 =	rddreg [dreg:$0x2]  }
0x4: {  	s3 =	rddreg [dreg:$0x3]  }
0x5: {  	s4 =	srdreg.scid;
	s9 =	stileid.u32  }
0x6: {  	s8 =	simm.s32 $0x0;
	s4 =	sand.u32 $0x1, s4;
	s6 =	smul.u32 $0x14000, s9  }
0x7: {  	[smem:$0x7FF] =	sst s8;
	s10 =	sadd.s32 $0xB400, s2;
	s5 =	smul.u32 $0x140000, s4  }
0x8: {  	s7 =	sshll.u32 s4, $0x4;
	_ =	strace $0x8000004A;
	s4 =	ssub.s32 $0x2, s4  }
0x9: {  	s7 =	sor.u32 s9, s7;
	s11 =	sshrl.u32 s4, $0x1;
	s9 =	smul.u32 $0x50000, s9  }
0xa: {  	s5 =	sadd.s32 s6, s5;
	s8 =	smul.u32 $0x2800, s7;
	s4 =	ssub.s32 s4, s11  }
0xb: {  	s5 =	sshrl.u32 s5, $0x3;
	s14 =	sshrl.u32 s9, $0x2;
	s16 =	smax.u32 s4, $0x1  }
0xc: {  	s4 =	simm.s32 $0x1;
	s9 =	simm.s32 $0x6800;
	s6 =	sshrl.u32 s8, $0x3  }
0xd: {  	s2 =	sadd.s32 s5, s2;
	[dreg:$0x9] =	wrdreg s16;
	s12 =	sadd.s32 s0, s6  }
0xe: {  	s7 =	sadd.s32 s14, s3;
	s13 =	sadd.s32 s10, s6;
	[dreg:$0x5] =	wrdreg s12  }
0xf: {  	s5 =	simm.s32 $0x2;
	s17 =	sadd.s32 $0x2000, s7;
	[dreg:$0x6] =	wrdreg s13  }
0x10: {  	s8 =	simm.s32 $0x2800;
	s19 =	sadd.s32 $0x3000, s7;
	[dreg:$0xa] =	wrdreg s17  }
0x11: {  	s14 =	simm.s32 $0x2780;
	s20 =	sadd.s32 $0x4000, s7;
	[dreg:$0xb] =	wrdreg s19  }
0x12: {  	s6 =	sadd.s32 $0x280, s6;
	s21 =	sadd.s32 $0x5000, s7;
	[dreg:$0xc] =	wrdreg s20  }
0x13: {  	s18 =	sadd.s32 $0x1000, s7;
	s22 =	sadd.s32 $0x6000, s7;
	[dreg:$0xd] =	wrdreg s21  }
0x14: {  	s23 =	sadd.s32 $0x7000, s7;
	s24 =	sadd.s32 $0x8000, s7;
	[dreg:$0xe] =	wrdreg s22  }
0x15: {  	s25 =	sadd.s32 $0x9000, s7;
	s26 =	sadd.s32 $0xA000, s7;
	[dreg:$0xf] =	wrdreg s23  }
0x16: {  	s28 =	sadd.s32 $0x10000, s7;
	s29 =	sadd.s32 $0x11000, s7;
	[dreg:$0x10] =	wrdreg s24  }
0x17: {  	s30 =	sadd.s32 $0x12000, s7;
	s31 =	sadd.s32 $0x13000, s7;
	[dreg:$0x11] =	wrdreg s25  }
0x18: {  	s0 =	sadd.s32 s0, s6;
	s15 =	sadd.s32 s10, s6;
	[dreg:$0x12] =	wrdreg s26  }
0x19: {  	s21 =	sadd.s32 $0xB000, s7;
	s22 =	sadd.s32 $0xC000, s7;
	s23 =	sadd.s32 $0xD000, s7  }
0x1a: {  	s24 =	sadd.s32 $0xE000, s7;
	s25 =	sadd.s32 $0x15400, s2;
	s26 =	sadd.s32 $0xF000, s7  }
0x1b: {  	s2 =	simm.s32 $0xA800;
	s6 =	simm.s32 $0x80;
	s10 =	simm.s32 $0x3  }
0x1c: {  	s12 =	simm.s32 $0x1380;
	s13 =	simm.s32 $0x2700;
	[dreg:$0x7] =	wrdreg s0  }
0x1d: {  	v0 =	vimm.f32 $0.0e+00;
	[dreg:$0x8] =	wrdreg s15;
	s0 =	simm.s32 $0x1400;
	s15 =	simm.s32 $0x0  }
.LBB2_1:
0x1e: {  	s11 =	simm.s32 $0x0;
	s16 =	rddreg [dreg:$0x5]  }
0x1f: {  	[tilespmem:s11], [sflag:$0x2] =	stream.linear.gather [hbm4b:s16+s11], $0x1400, $0x38;
	[tilespmem:$0x1F800] =	vst v63  }
0x20: {  	s20 =	rddreg [dreg:$0x6];
	s17 =	simm.s32 $0x200;
	s16 =	simm.s32 $0x0  }
0x21: {  	[tilespmem:s0], [sflag:$0x2] =	stream.linear.gather [hbm4b:s20+s11], $0x1400, $0x38;
	[tilespmem:$0x1F800] =	vst v63  }
.LBB2_2:
0x22: {  	p0 =	sne.s32 s17, $0x3E00;
	[tilespmem:s16+$0xA870] =	vst v0  }
0x23: {  	[tilespmem:s16+$0xA800] =	vst v0  }
0x24: {  	[tilespmem:s16+$0xA810] =	vst v0  }
.Ltmp0:
0x25: {  	[tilespmem:s16+$0xA820] =	vst v0;
	(pc) =	sbr.rel @p0 .LBB2_2-.Ltmp0, $4  }
0x26: {  	[tilespmem:s16+$0xA830] =	vst v0  }
0x27: {  	[tilespmem:s16+$0xA840] =	vst v0  }
0x28: {  	[tilespmem:s16+$0xA850] =	vst v0  }
0x29: {  	[tilespmem:s16+$0xA860] =	vst v0;
	s16 =	sshra.s32 s17, $0x2;
	s17 =	sadd.s32 $0x200, s17  }
0x2a: {  	[tilespmem:s16+$0xA870] =	vst v0  }
0x2b: {  	[tilespmem:s16+$0xA800] =	vst v0  }
0x2c: {  	[tilespmem:s16+$0xA810] =	vst v0  }
0x2d: {  	[tilespmem:s16+$0xA820] =	vst v0  }
0x2e: {  	[tilespmem:s16+$0xA830] =	vst v0  }
0x2f: {  	[tilespmem:s16+$0xA840] =	vst v0  }
0x30: {  	[tilespmem:s16+$0xA850] =	vst v0  }
0x31: {  	[tilespmem:s16+$0xA860] =	vst v0  }
0x32: {  	[spmem:s7] =	stream.linear.scatter [tilespmem:s2], [sflag:$0x1], $0x1000, $0x38;
	[tilespmem:$0x1F800] =	vst v63  }
0x33: {  	_ = 	snop  }
0x34: {  	[spmem:s18] =	stream.linear.scatter [tilespmem:s2], [sflag:$0x1], $0x1000, $0x38;
	[tilespmem:$0x1F800] =	vst v63  }
0x35: {  	s11 =	rddreg [dreg:$0xa]  }
0x36: {  	[spmem:s11] =	stream.linear.scatter [tilespmem:s2], [sflag:$0x1], $0x1000, $0x38;
	[tilespmem:$0x1F800] =	vst v63  }
0x37: {  	s20 =	rddreg [dreg:$0xb]  }
0x38: {  	[spmem:s20] =	stream.linear.scatter [tilespmem:s2], [sflag:$0x1], $0x1000, $0x38;
	[tilespmem:$0x1F800] =	vst v63  }
0x39: {  	s16 =	rddreg [dreg:$0xc]  }
0x3a: {  	[spmem:s16] =	stream.linear.scatter [tilespmem:s2], [sflag:$0x1], $0x1000, $0x38;
	[tilespmem:$0x1F800] =	vst v63  }
0x3b: {  	s17 =	rddreg [dreg:$0xd]  }
0x3c: {  	[spmem:s17] =	stream.linear.scatter [tilespmem:s2], [sflag:$0x1], $0x1000, $0x38;
	[tilespmem:$0x1F800] =	vst v63  }
0x3d: {  	s19 =	rddreg [dreg:$0xe]  }
0x3e: {  	[spmem:s19] =	stream.linear.scatter [tilespmem:s2], [sflag:$0x1], $0x1000, $0x38;
	[tilespmem:$0x1F800] =	vst v63  }
0x3f: {  	s20 =	rddreg [dreg:$0xf]  }
0x40: {  	[spmem:s20] =	stream.linear.scatter [tilespmem:s2], [sflag:$0x1], $0x1000, $0x38;
	[tilespmem:$0x1F800] =	vst v63  }
0x41: {  	s16 =	rddreg [dreg:$0x10]  }
0x42: {  	[spmem:s16] =	stream.linear.scatter [tilespmem:s2], [sflag:$0x1], $0x1000, $0x38;
	[tilespmem:$0x1F800] =	vst v63  }
0x43: {  	s17 =	rddreg [dreg:$0x11]  }
0x44: {  	[spmem:s17] =	stream.linear.scatter [tilespmem:s2], [sflag:$0x1], $0x1000, $0x38;
	[tilespmem:$0x1F800] =	vst v63  }
0x45: {  	s19 =	rddreg [dreg:$0x12]  }
0x46: {  	[spmem:s19] =	stream.linear.scatter [tilespmem:s2], [sflag:$0x1], $0x1000, $0x38;
	[tilespmem:$0x1F800] =	vst v63  }
0x47: {  	_ = 	snop  }
0x48: {  	[spmem:s21] =	stream.linear.scatter [tilespmem:s2], [sflag:$0x1], $0x1000, $0x38;
	[tilespmem:$0x1F800] =	vst v63  }
0x49: {  	_ = 	snop  }
0x4a: {  	[spmem:s22] =	stream.linear.scatter [tilespmem:s2], [sflag:$0x1], $0x1000, $0x38;
	[tilespmem:$0x1F800] =	vst v63  }
0x4b: {  	_ = 	snop  }
0x4c: {  	[spmem:s23] =	stream.linear.scatter [tilespmem:s2], [sflag:$0x1], $0x1000, $0x38;
	[tilespmem:$0x1F800] =	vst v63  }
0x4d: {  	_ = 	snop  }
0x4e: {  	[spmem:s24] =	stream.linear.scatter [tilespmem:s2], [sflag:$0x1], $0x1000, $0x38;
	[tilespmem:$0x1F800] =	vst v63  }
0x4f: {  	_ = 	snop  }
0x50: {  	[spmem:s26] =	stream.linear.scatter [tilespmem:s2], [sflag:$0x1], $0x1000, $0x38;
	[tilespmem:$0x1F800] =	vst v63  }
0x51: {  	_ = 	snop  }
0x52: {  	[spmem:s28] =	stream.linear.scatter [tilespmem:s2], [sflag:$0x1], $0x1000, $0x38;
	[tilespmem:$0x1F800] =	vst v63  }
0x53: {  	_ = 	snop  }
0x54: {  	[spmem:s29] =	stream.linear.scatter [tilespmem:s2], [sflag:$0x1], $0x1000, $0x38;
	[tilespmem:$0x1F800] =	vst v63  }
0x55: {  	_ = 	snop  }
0x56: {  	[spmem:s30] =	stream.linear.scatter [tilespmem:s2], [sflag:$0x1], $0x1000, $0x38;
	[tilespmem:$0x1F800] =	vst v63  }
0x57: {  	_ = 	snop  }
0x58: {  	[spmem:s31] =	stream.linear.scatter [tilespmem:s2], [sflag:$0x1], $0x1000, $0x38;
	[tilespmem:$0x1F800] =	vst v63  }
0x59: {  	_ =	swait.ge [sflag:s4], $0x1000  }
0x5a: {  	[sflag:s4] =	ssyncset.done $0x0  }
0x5b: {  	[sflag:s4] =	ssyncadd.s32 $0xFFFFF000  }
0x5c: {  	_ =	swait.ge [sflag:s4], $0x1000  }
0x5d: {  	[sflag:s4] =	ssyncset.done $0x0  }
0x5e: {  	[sflag:s4] =	ssyncadd.s32 $0xFFFFF000  }
0x5f: {  	_ =	swait.ge [sflag:s4], $0x1000  }
0x60: {  	[sflag:s4] =	ssyncset.done $0x0  }
0x61: {  	[sflag:s4] =	ssyncadd.s32 $0xFFFFF000  }
0x62: {  	_ =	swait.ge [sflag:s4], $0x1000  }
0x63: {  	[sflag:s4] =	ssyncset.done $0x0  }
0x64: {  	[sflag:s4] =	ssyncadd.s32 $0xFFFFF000  }
0x65: {  	_ =	swait.ge [sflag:s4], $0x1000  }
0x66: {  	[sflag:s4] =	ssyncset.done $0x0  }
0x67: {  	[sflag:s4] =	ssyncadd.s32 $0xFFFFF000  }
0x68: {  	_ =	swait.ge [sflag:s4], $0x1000  }
0x69: {  	[sflag:s4] =	ssyncset.done $0x0  }
0x6a: {  	[sflag:s4] =	ssyncadd.s32 $0xFFFFF000  }
0x6b: {  	_ =	swait.ge [sflag:s4], $0x1000  }
0x6c: {  	[sflag:s4] =	ssyncset.done $0x0  }
0x6d: {  	[sflag:s4] =	ssyncadd.s32 $0xFFFFF000  }
0x6e: {  	_ =	swait.ge [sflag:s4], $0x1000  }
0x6f: {  	[sflag:s4] =	ssyncset.done $0x0  }
0x70: {  	[sflag:s4] =	ssyncadd.s32 $0xFFFFF000  }
0x71: {  	_ =	swait.ge [sflag:s4], $0x1000  }
0x72: {  	[sflag:s4] =	ssyncset.done $0x0  }
0x73: {  	[sflag:s4] =	ssyncadd.s32 $0xFFFFF000  }
0x74: {  	_ =	swait.ge [sflag:s4], $0x1000  }
0x75: {  	[sflag:s4] =	ssyncset.done $0x0  }
0x76: {  	[sflag:s4] =	ssyncadd.s32 $0xFFFFF000  }
0x77: {  	_ =	swait.ge [sflag:s4], $0x1000  }
0x78: {  	[sflag:s4] =	ssyncset.done $0x0  }
0x79: {  	[sflag:s4] =	ssyncadd.s32 $0xFFFFF000  }
0x7a: {  	_ =	swait.ge [sflag:s4], $0x1000  }
0x7b: {  	[sflag:s4] =	ssyncset.done $0x0  }
0x7c: {  	[sflag:s4] =	ssyncadd.s32 $0xFFFFF000  }
0x7d: {  	_ =	swait.ge [sflag:s4], $0x1000  }
0x7e: {  	[sflag:s4] =	ssyncset.done $0x0  }
0x7f: {  	[sflag:s4] =	ssyncadd.s32 $0xFFFFF000  }
0x80: {  	_ =	swait.ge [sflag:s4], $0x1000  }
0x81: {  	[sflag:s4] =	ssyncset.done $0x0  }
0x82: {  	[sflag:s4] =	ssyncadd.s32 $0xFFFFF000  }
0x83: {  	_ =	swait.ge [sflag:s4], $0x1000  }
0x84: {  	[sflag:s4] =	ssyncset.done $0x0  }
0x85: {  	[sflag:s4] =	ssyncadd.s32 $0xFFFFF000  }
0x86: {  	_ =	swait.ge [sflag:s4], $0x1000  }
0x87: {  	[sflag:s4] =	ssyncset.done $0x0  }
0x88: {  	[sflag:s4] =	ssyncadd.s32 $0xFFFFF000  }
0x89: {  	_ =	swait.ge [sflag:s4], $0x1000  }
0x8a: {  	[sflag:s4] =	ssyncset.done $0x0  }
0x8b: {  	[sflag:s4] =	ssyncadd.s32 $0xFFFFF000  }
0x8c: {  	_ =	swait.ge [sflag:s4], $0x1000  }
0x8d: {  	[sflag:s4] =	ssyncset.done $0x0  }
0x8e: {  	[sflag:s4] =	ssyncadd.s32 $0xFFFFF000  }
0x8f: {  	_ =	swait.ge [sflag:s4], $0x1000  }
0x90: {  	[sflag:s4] =	ssyncset.done $0x0  }
0x91: {  	[sflag:s4] =	ssyncadd.s32 $0xFFFFF000  }
0x92: {  	_ =	swait.ge [sflag:s4], $0x1000  }
0x93: {  	[sflag:s4] =	ssyncset.done $0x0  }
0x94: {  	[sflag:s4] =	ssyncadd.s32 $0xFFFFF000  }
0x95: {  	[bflag:$0x0] =	sbarrier.arrive $0xFFFF  }
0x96: {  	_ =	swait.ge [sflag:s5], $0x1400  }
0x97: {  	[sflag:s5] =	ssyncset.done $0x0  }
0x98: {  	[sflag:s5] =	ssyncadd.s32 $0xFFFFEC00  }
0x99: {  	_ =	swait.ge [sflag:s5], $0x1400  }
0x9a: {  	[sflag:s5] =	ssyncset.done $0x0  }
0x9b: {  	s20 =	simm.s32 $0x0;
	[sflag:s5] =	ssyncadd.s32 $0xFFFFEC00  }
0x9c: {  	[tilespmem:s8], [sflag:$0x1] =	stream.indirect.gather [hbm4b:s1+s6], $0x80, s20, s6, $0xb8;
	[tilespmem:$0x1F800] =	vst v63  }
0x9d: {  	s16 =	simm.s32 $0x80  }
0x9e: {  	[tilespmem:s9], [sflag:$0x2] =	stream.indirect.gather [hbm4b:s1+s6], $0x80, s16, s6, $0xb8;
	[tilespmem:$0x1F800] =	vst v63  }
0x9f: {  	_ =	swait.ge [sflag:s4], $0x4000  }
0xa0: {  	[sflag:s4] =	ssyncset.done $0x0  }
0xa1: {  	s17 =	simm.s32 $0x1400;
	[sflag:s4] =	ssyncadd.s32 $0xFFFFC000  }
0xa2: {  	[spmem:s3] =	stream.indirect.scatter.add.f32 [tilespmem:s8], [sflag:$0x3], $0x80, s17, s6, $0xb8;
	[tilespmem:$0x1F800] =	vst v63  }
0xa3: {  	_ =	swait.ge [sflag:s10], $0x4000  }
0xa4: {  	[sflag:s10] =	ssyncset.done $0x0  }
0xa5: {  	s19 =	simm.s32 $0x100;
	[sflag:s10] =	ssyncadd.s32 $0xFFFFC000  }
0xa6: {  	[tilespmem:s8], [sflag:$0x1] =	stream.indirect.gather [hbm4b:s1+s6], $0x80, s19, s6, $0xb8;
	[tilespmem:$0x1F800] =	vst v63  }
0xa7: {  	_ =	swait.ge [sflag:s5], $0x4000  }
0xa8: {  	[sflag:s5] =	ssyncset.done $0x0  }
0xa9: {  	s20 =	simm.s32 $0x1480;
	[sflag:s5] =	ssyncadd.s32 $0xFFFFC000  }
0xaa: {  	[spmem:s3] =	stream.indirect.scatter.add.f32 [tilespmem:s9], [sflag:$0x3], $0x80, s20, s6, $0xb8;
	[tilespmem:$0x1F800] =	vst v63  }
0xab: {  	_ =	swait.ge [sflag:s10], $0x4000  }
0xac: {  	s11 =	simm.s32 $0x800;
	s16 =	simm.s32 $0x100;
	[sflag:s10] =	ssyncset.done $0x0  }
.LBB2_4:
0xad: {  	s17 =	sadd.s32 $0x80, s16  }
0xae: {  	[sflag:s10] =	ssyncadd.s32 $0xFFFFC000;
	s19 =	smov.u32 s11;
	s20 =	sadd.s32 $0x400, s11  }
0xaf: {  	[tilespmem:s9], [sflag:$0x2] =	stream.indirect.gather [hbm4b:s1+s6], $0x80, s17, s6, $0xb8;
	[tilespmem:$0x1F800] =	vst v63  }
0xb0: {  	p0 =	sne.s32 s11, $0x4800;
	_ =	swait.ge [sflag:s4], $0x4000  }
0xb1: {  	[sflag:s4] =	ssyncset.done $0x0  }
0xb2: {  	s11 =	sadd.s32 $0x1400, s16;
	[sflag:s4] =	ssyncadd.s32 $0xFFFFC000  }
0xb3: {  	[spmem:s3] =	stream.indirect.scatter.add.f32 [tilespmem:s8], [sflag:$0x3], $0x80, s11, s6, $0xb8;
	[tilespmem:$0x1F800] =	vst v63  }
0xb4: {  	_ =	swait.ge [sflag:s10], $0x4000  }
0xb5: {  	[sflag:s10] =	ssyncset.done $0x0  }
0xb6: {  	s11 =	sadd.s32 $0x100, s16;
	[sflag:s10] =	ssyncadd.s32 $0xFFFFC000  }
0xb7: {  	[tilespmem:s8], [sflag:$0x1] =	stream.indirect.gather [hbm4b:s1+s6], $0x80, s11, s6, $0xb8;
	[tilespmem:$0x1F800] =	vst v63  }
0xb8: {  	_ =	swait.ge [sflag:s5], $0x4000  }
.Ltmp1:
0xb9: {  	[sflag:s5] =	ssyncset.done $0x0;
	(pc) =	sbr.rel @p0 .LBB2_4-.Ltmp1, $4  }
0xba: {  	s11 =	sadd.s32 $0x1480, s16;
	[sflag:s5] =	ssyncadd.s32 $0xFFFFC000  }
0xbb: {  	[spmem:s3] =	stream.indirect.scatter.add.f32 [tilespmem:s9], [sflag:$0x3], $0x80, s11, s6, $0xb8;
	[tilespmem:$0x1F800] =	vst v63  }
0xbc: {  	_ =	swait.ge [sflag:s10], $0x4000  }
0xbd: {  	s16 =	sshra.s32 s19, $0x2;
	s11 =	smov.u32 s20;
	[sflag:s10] =	ssyncset.done $0x0  }
0xbe: {  	s11 =	sadd.s32 $0x80, s16;
	[sflag:s10] =	ssyncadd.s32 $0xFFFFC000  }
0xbf: {  	[tilespmem:s9], [sflag:$0x2] =	stream.indirect.gather [hbm4b:s1+s6], $0x80, s11, s6, $0xb8;
	[tilespmem:$0x1F800] =	vst v63  }
0xc0: {  	_ =	swait.ge [sflag:s4], $0x4000  }
0xc1: {  	[sflag:s4] =	ssyncset.done $0x0  }
0xc2: {  	s19 =	sadd.s32 $0x1400, s16;
	[sflag:s4] =	ssyncadd.s32 $0xFFFFC000  }
0xc3: {  	[spmem:s3] =	stream.indirect.scatter.add.f32 [tilespmem:s8], [sflag:$0x3], $0x80, s19, s6, $0xb8;
	[tilespmem:$0x1F800] =	vst v63  }
0xc4: {  	_ =	swait.ge [sflag:s10], $0x4000  }
0xc5: {  	[sflag:s10] =	ssyncset.done $0x0  }
0xc6: {  	s20 =	sadd.s32 $0x100, s16;
	[sflag:s10] =	ssyncadd.s32 $0xFFFFC000  }
0xc7: {  	[tilespmem:s8], [sflag:$0x1] =	stream.indirect.gather [hbm4b:s1+s6], $0x80, s20, s6, $0xb8;
	[tilespmem:$0x1F800] =	vst v63  }
0xc8: {  	_ =	swait.ge [sflag:s5], $0x4000  }
0xc9: {  	[sflag:s5] =	ssyncset.done $0x0  }
0xca: {  	s16 =	sadd.s32 $0x1480, s16;
	[sflag:s5] =	ssyncadd.s32 $0xFFFFC000  }
0xcb: {  	[spmem:s3] =	stream.indirect.scatter.add.f32 [tilespmem:s9], [sflag:$0x3], $0x80, s16, s6, $0xb8;
	[tilespmem:$0x1F800] =	vst v63  }
0xcc: {  	_ =	swait.ge [sflag:s10], $0x4000  }
0xcd: {  	[sflag:s10] =	ssyncset.done $0x0  }
0xce: {  	[sflag:s10] =	ssyncadd.s32 $0xFFFFC000  }
0xcf: {  	[tilespmem:s9], [sflag:$0x2] =	stream.indirect.gather [hbm4b:s1+s6], $0x80, s12, s6, $0xb8;
	[tilespmem:$0x1F800] =	vst v63  }
0xd0: {  	_ =	swait.ge [sflag:s4], $0x4000  }
0xd1: {  	[sflag:s4] =	ssyncset.done $0x0  }
0xd2: {  	[sflag:s4] =	ssyncadd.s32 $0xFFFFC000  }
0xd3: {  	[spmem:s3] =	stream.indirect.scatter.add.f32 [tilespmem:s8], [sflag:$0x3], $0x80, s13, s6, $0xb8;
	[tilespmem:$0x1F800] =	vst v63  }
0xd4: {  	_ =	swait.ge [sflag:s10], $0x4000  }
0xd5: {  	[sflag:s10] =	ssyncset.done $0x0  }
0xd6: {  	[sflag:s10] =	ssyncadd.s32 $0xFFFFC000  }
0xd7: {  	_ =	swait.ge [sflag:s5], $0x4000  }
0xd8: {  	[sflag:s5] =	ssyncset.done $0x0  }
0xd9: {  	[sflag:s5] =	ssyncadd.s32 $0xFFFFC000  }
0xda: {  	[spmem:s3] =	stream.indirect.scatter.add.f32 [tilespmem:s9], [sflag:$0x3], $0x80, s14, s6, $0xb8;
	[tilespmem:$0x1F800] =	vst v63  }
0xdb: {  	_ =	swait.ge [sflag:s10], $0x4000  }
0xdc: {  	[sflag:s10] =	ssyncset.done $0x0  }
0xdd: {  	s17 =	simm.s32 $0x0;
	s19 =	rddreg [dreg:$0x7];
	[sflag:s10] =	ssyncadd.s32 $0xFFFFC000  }
0xde: {  	[tilespmem:s17], [sflag:$0x3] =	stream.linear.gather [hbm4b:s19+s17], $0x1400, $0x38;
	[tilespmem:$0x1F800] =	vst v63  }
0xdf: {  	_ =	swait.ge [sflag:s10], $0x1400  }
0xe0: {  	[sflag:s10] =	ssyncset.done $0x0  }
0xe1: {  	s20 =	rddreg [dreg:$0x8];
	[sflag:s10] =	ssyncadd.s32 $0xFFFFEC00  }
0xe2: {  	[tilespmem:s0], [sflag:$0x3] =	stream.linear.gather [hbm4b:s20+s17], $0x1400, $0x38;
	[tilespmem:$0x1F800] =	vst v63  }
0xe3: {  	_ =	swait.ge [sflag:s10], $0x1400  }
0xe4: {  	[sflag:s10] =	ssyncset.done $0x0  }
0xe5: {  	[sflag:s10] =	ssyncadd.s32 $0xFFFFEC00  }
0xe6: {  	[tilespmem:s8], [sflag:$0x1] =	stream.indirect.gather [hbm4b:s1+s6], $0x80, s17, s6, $0xb8;
	[tilespmem:$0x1F800] =	vst v63  }
0xe7: {  	s16 =	simm.s32 $0x80  }
0xe8: {  	[tilespmem:s9], [sflag:$0x2] =	stream.indirect.gather [hbm4b:s1+s6], $0x80, s16, s6, $0xb8;
	[tilespmem:$0x1F800] =	vst v63  }
0xe9: {  	_ =	swait.ge [sflag:s4], $0x4000  }
0xea: {  	[sflag:s4] =	ssyncset.done $0x0  }
0xeb: {  	s17 =	simm.s32 $0x1400;
	[sflag:s4] =	ssyncadd.s32 $0xFFFFC000  }
0xec: {  	[spmem:s3] =	stream.indirect.scatter.add.f32 [tilespmem:s8], [sflag:$0x3], $0x80, s17, s6, $0xb8;
	[tilespmem:$0x1F800] =	vst v63  }
0xed: {  	_ =	swait.ge [sflag:s10], $0x4000  }
0xee: {  	[sflag:s10] =	ssyncset.done $0x0  }
0xef: {  	s19 =	simm.s32 $0x100;
	[sflag:s10] =	ssyncadd.s32 $0xFFFFC000  }
0xf0: {  	[tilespmem:s8], [sflag:$0x1] =	stream.indirect.gather [hbm4b:s1+s6], $0x80, s19, s6, $0xb8;
	[tilespmem:$0x1F800] =	vst v63  }
0xf1: {  	_ =	swait.ge [sflag:s5], $0x4000  }
0xf2: {  	[sflag:s5] =	ssyncset.done $0x0  }
0xf3: {  	s20 =	simm.s32 $0x1480;
	[sflag:s5] =	ssyncadd.s32 $0xFFFFC000  }
0xf4: {  	[spmem:s3] =	stream.indirect.scatter.add.f32 [tilespmem:s9], [sflag:$0x3], $0x80, s20, s6, $0xb8;
	[tilespmem:$0x1F800] =	vst v63  }
0xf5: {  	_ =	swait.ge [sflag:s10], $0x4000  }
0xf6: {  	s11 =	simm.s32 $0x800;
	s16 =	simm.s32 $0x100;
	[sflag:s10] =	ssyncset.done $0x0  }
.LBB2_6:
0xf7: {  	s17 =	sadd.s32 $0x80, s16  }
0xf8: {  	[sflag:s10] =	ssyncadd.s32 $0xFFFFC000;
	s19 =	smov.u32 s11;
	s20 =	sadd.s32 $0x400, s11  }
0xf9: {  	[tilespmem:s9], [sflag:$0x2] =	stream.indirect.gather [hbm4b:s1+s6], $0x80, s17, s6, $0xb8;
	[tilespmem:$0x1F800] =	vst v63  }
0xfa: {  	p0 =	sne.s32 s11, $0x4800;
	_ =	swait.ge [sflag:s4], $0x4000  }
0xfb: {  	[sflag:s4] =	ssyncset.done $0x0  }
0xfc: {  	s11 =	sadd.s32 $0x1400, s16;
	[sflag:s4] =	ssyncadd.s32 $0xFFFFC000  }
0xfd: {  	[spmem:s3] =	stream.indirect.scatter.add.f32 [tilespmem:s8], [sflag:$0x3], $0x80, s11, s6, $0xb8;
	[tilespmem:$0x1F800] =	vst v63  }
0xfe: {  	_ =	swait.ge [sflag:s10], $0x4000  }
0xff: {  	[sflag:s10] =	ssyncset.done $0x0  }
0x100: {  	s11 =	sadd.s32 $0x100, s16;
	[sflag:s10] =	ssyncadd.s32 $0xFFFFC000  }
0x101: {  	[tilespmem:s8], [sflag:$0x1] =	stream.indirect.gather [hbm4b:s1+s6], $0x80, s11, s6, $0xb8;
	[tilespmem:$0x1F800] =	vst v63  }
0x102: {  	_ =	swait.ge [sflag:s5], $0x4000  }
.Ltmp2:
0x103: {  	[sflag:s5] =	ssyncset.done $0x0;
	(pc) =	sbr.rel @p0 .LBB2_6-.Ltmp2, $4  }
0x104: {  	s11 =	sadd.s32 $0x1480, s16;
	[sflag:s5] =	ssyncadd.s32 $0xFFFFC000  }
0x105: {  	[spmem:s3] =	stream.indirect.scatter.add.f32 [tilespmem:s9], [sflag:$0x3], $0x80, s11, s6, $0xb8;
	[tilespmem:$0x1F800] =	vst v63  }
0x106: {  	_ =	swait.ge [sflag:s10], $0x4000  }
0x107: {  	s16 =	sshra.s32 s19, $0x2;
	s11 =	smov.u32 s20;
	[sflag:s10] =	ssyncset.done $0x0  }
0x108: {  	s11 =	sadd.s32 $0x80, s16;
	[sflag:s10] =	ssyncadd.s32 $0xFFFFC000  }
0x109: {  	[tilespmem:s9], [sflag:$0x2] =	stream.indirect.gather [hbm4b:s1+s6], $0x80, s11, s6, $0xb8;
	[tilespmem:$0x1F800] =	vst v63  }
0x10a: {  	_ =	swait.ge [sflag:s4], $0x4000  }
0x10b: {  	[sflag:s4] =	ssyncset.done $0x0  }
0x10c: {  	s20 =	sadd.s32 $0x1400, s16;
	[sflag:s4] =	ssyncadd.s32 $0xFFFFC000  }
0x10d: {  	[spmem:s3] =	stream.indirect.scatter.add.f32 [tilespmem:s8], [sflag:$0x3], $0x80, s20, s6, $0xb8;
	[tilespmem:$0x1F800] =	vst v63  }
0x10e: {  	_ =	swait.ge [sflag:s10], $0x4000  }
0x10f: {  	[sflag:s10] =	ssyncset.done $0x0  }
0x110: {  	s17 =	sadd.s32 $0x100, s16;
	[sflag:s10] =	ssyncadd.s32 $0xFFFFC000  }
0x111: {  	[tilespmem:s8], [sflag:$0x1] =	stream.indirect.gather [hbm4b:s1+s6], $0x80, s17, s6, $0xb8;
	[tilespmem:$0x1F800] =	vst v63  }
0x112: {  	_ =	swait.ge [sflag:s5], $0x4000  }
0x113: {  	[sflag:s5] =	ssyncset.done $0x0  }
0x114: {  	s19 =	sadd.s32 $0x1480, s16;
	[sflag:s5] =	ssyncadd.s32 $0xFFFFC000  }
0x115: {  	[spmem:s3] =	stream.indirect.scatter.add.f32 [tilespmem:s9], [sflag:$0x3], $0x80, s19, s6, $0xb8;
	[tilespmem:$0x1F800] =	vst v63  }
0x116: {  	_ =	swait.ge [sflag:s10], $0x4000  }
0x117: {  	[sflag:s10] =	ssyncset.done $0x0  }
0x118: {  	[sflag:s10] =	ssyncadd.s32 $0xFFFFC000  }
0x119: {  	[tilespmem:s9], [sflag:$0x2] =	stream.indirect.gather [hbm4b:s1+s6], $0x80, s12, s6, $0xb8;
	[tilespmem:$0x1F800] =	vst v63  }
0x11a: {  	_ =	swait.ge [sflag:s4], $0x4000  }
0x11b: {  	[sflag:s4] =	ssyncset.done $0x0  }
0x11c: {  	[sflag:s4] =	ssyncadd.s32 $0xFFFFC000  }
0x11d: {  	[spmem:s3] =	stream.indirect.scatter.add.f32 [tilespmem:s8], [sflag:$0x3], $0x80, s13, s6, $0xb8;
	[tilespmem:$0x1F800] =	vst v63  }
0x11e: {  	_ =	swait.ge [sflag:s10], $0x4000  }
0x11f: {  	[sflag:s10] =	ssyncset.done $0x0  }
0x120: {  	[sflag:s10] =	ssyncadd.s32 $0xFFFFC000  }
0x121: {  	_ =	swait.ge [sflag:s5], $0x4000  }
0x122: {  	[sflag:s5] =	ssyncset.done $0x0  }
0x123: {  	[sflag:s5] =	ssyncadd.s32 $0xFFFFC000  }
0x124: {  	[spmem:s3] =	stream.indirect.scatter.add.f32 [tilespmem:s9], [sflag:$0x3], $0x80, s14, s6, $0xb8;
	[tilespmem:$0x1F800] =	vst v63  }
0x125: {  	s20 =	stileid.u32;
	_ =	swait.ge [sflag:s10], $0x4000  }
0x126: {  	s16 =	simm.s32 $0x200;
	s11 =	sshll.u32 s20, $0x6;
	[sflag:s10] =	ssyncset.done $0x0  }
0x127: {  	s20 =	sshrl.u32 s7, $0x3;
	s17 =	sor.u32 $0x1C01, s11;
	[sflag:s10] =	ssyncadd.s32 $0xFFFFC000  }
0x128: {  	s11 =	smov.u32 s18;
	s19 =	sadd.s32 $0x0, s25;
	[bflag:$0x0] =	sbarrier.arrive $0xFFFF  }
.LBB2_8:
0x129: {  	[hbm:s19], [sflag:s17] =	dma.local [spmem:s20], $0x200  }
0x12a: {  	s19 =	smov.u32 s16;
	s20 =	smov.u32 s11;
	p0 =	sne.s32 s16, $0x2600  }
.Ltmp3:
0x12b: {  	s16 =	sadd.s32 $0x200, s16;
	(pc) =	sbr.rel @p0 .LBB2_8-.Ltmp3, $3  }
0x12c: {  	_ =	sdelay $0x1  }
0x12d: {  	s11 =	sadd.s32 $0x1000, s11  }
0x12e: {  	s19 =	sadd.s32 s19, s25;
	s20 =	sshrl.u32 s20, $0x3  }
0x12f: {  	[hbm:s19], [sflag:s17] =	dma.local [spmem:s20], $0x200  }
0x130: {  	_ =	swait.ge [sflag:s4], $0x200  }
0x131: {  	[sflag:s4] =	ssyncset.done $0x0  }
0x132: {  	[sflag:s4] =	ssyncadd.s32 $0xFFFFFE00  }
0x133: {  	_ =	swait.ge [sflag:s4], $0x200  }
0x134: {  	[sflag:s4] =	ssyncset.done $0x0  }
0x135: {  	[sflag:s4] =	ssyncadd.s32 $0xFFFFFE00  }
0x136: {  	_ =	swait.ge [sflag:s4], $0x200  }
0x137: {  	[sflag:s4] =	ssyncset.done $0x0  }
0x138: {  	[sflag:s4] =	ssyncadd.s32 $0xFFFFFE00  }
0x139: {  	_ =	swait.ge [sflag:s4], $0x200  }
0x13a: {  	[sflag:s4] =	ssyncset.done $0x0  }
0x13b: {  	[sflag:s4] =	ssyncadd.s32 $0xFFFFFE00  }
0x13c: {  	_ =	swait.ge [sflag:s4], $0x200  }
0x13d: {  	[sflag:s4] =	ssyncset.done $0x0  }
0x13e: {  	[sflag:s4] =	ssyncadd.s32 $0xFFFFFE00  }
0x13f: {  	_ =	swait.ge [sflag:s4], $0x200  }
0x140: {  	[sflag:s4] =	ssyncset.done $0x0  }
0x141: {  	[sflag:s4] =	ssyncadd.s32 $0xFFFFFE00  }
0x142: {  	_ =	swait.ge [sflag:s4], $0x200  }
0x143: {  	[sflag:s4] =	ssyncset.done $0x0  }
0x144: {  	[sflag:s4] =	ssyncadd.s32 $0xFFFFFE00  }
0x145: {  	_ =	swait.ge [sflag:s4], $0x200  }
0x146: {  	[sflag:s4] =	ssyncset.done $0x0  }
0x147: {  	[sflag:s4] =	ssyncadd.s32 $0xFFFFFE00  }
0x148: {  	_ =	swait.ge [sflag:s4], $0x200  }
0x149: {  	[sflag:s4] =	ssyncset.done $0x0  }
0x14a: {  	[sflag:s4] =	ssyncadd.s32 $0xFFFFFE00  }
0x14b: {  	_ =	swait.ge [sflag:s4], $0x200  }
0x14c: {  	[sflag:s4] =	ssyncset.done $0x0  }
0x14d: {  	[sflag:s4] =	ssyncadd.s32 $0xFFFFFE00  }
0x14e: {  	_ =	swait.ge [sflag:s4], $0x200  }
0x14f: {  	[sflag:s4] =	ssyncset.done $0x0  }
0x150: {  	[sflag:s4] =	ssyncadd.s32 $0xFFFFFE00  }
0x151: {  	_ =	swait.ge [sflag:s4], $0x200  }
0x152: {  	[sflag:s4] =	ssyncset.done $0x0  }
0x153: {  	[sflag:s4] =	ssyncadd.s32 $0xFFFFFE00  }
0x154: {  	_ =	swait.ge [sflag:s4], $0x200  }
0x155: {  	[sflag:s4] =	ssyncset.done $0x0  }
0x156: {  	[sflag:s4] =	ssyncadd.s32 $0xFFFFFE00  }
0x157: {  	_ =	swait.ge [sflag:s4], $0x200  }
0x158: {  	[sflag:s4] =	ssyncset.done $0x0  }
0x159: {  	[sflag:s4] =	ssyncadd.s32 $0xFFFFFE00  }
0x15a: {  	_ =	swait.ge [sflag:s4], $0x200  }
0x15b: {  	[sflag:s4] =	ssyncset.done $0x0  }
0x15c: {  	[sflag:s4] =	ssyncadd.s32 $0xFFFFFE00  }
0x15d: {  	_ =	swait.ge [sflag:s4], $0x200  }
0x15e: {  	[sflag:s4] =	ssyncset.done $0x0  }
0x15f: {  	[sflag:s4] =	ssyncadd.s32 $0xFFFFFE00  }
0x160: {  	_ =	swait.ge [sflag:s4], $0x200  }
0x161: {  	[sflag:s4] =	ssyncset.done $0x0  }
0x162: {  	[sflag:s4] =	ssyncadd.s32 $0xFFFFFE00  }
0x163: {  	_ =	swait.ge [sflag:s4], $0x200  }
0x164: {  	[sflag:s4] =	ssyncset.done $0x0  }
0x165: {  	[sflag:s4] =	ssyncadd.s32 $0xFFFFFE00  }
0x166: {  	_ =	swait.ge [sflag:s4], $0x200  }
0x167: {  	[sflag:s4] =	ssyncset.done $0x0  }
0x168: {  	[sflag:s4] =	ssyncadd.s32 $0xFFFFFE00  }
0x169: {  	_ =	swait.ge [sflag:s4], $0x200  }
0x16a: {  	s15 =	sadd.s32 $0x1, s15;
	s11 =	rddreg [dreg:$0x9]  }
0x16b: {  	p0 =	sne.s32 s15, s11  }
.Ltmp4:
0x16c: {  	_ = 	snop;
	(pc) =	sbr.rel @p0 .LBB2_1-.Ltmp4, $3  }
0x16d: {  	_ =	sdelay $0x1  }
0x16e: {  	[sflag:s4] =	ssyncset.done $0x0  }
0x16f: {  	[sflag:s4] =	ssyncadd.s32 $0xFFFFFE00  }
0x170: {  	_ =	sfence.sel $0x180000  }
0x171: {  	[bflag:$0x0] =	sbarrier.arrive $0xFFFF  }
0x172: {  	_ =	strace $0x9000004A  }
0x173: {  	s0 =	stileid.u32;
	[bflag:$0x2] =	sbarrier.arrive $0xFFFF  }
0x174: {  	p0 =	sne.s32 s0, $0x0;
	s0 =	rddreg [dreg:$0x4]  }
0x175: {  	s0 =	sadd.s32 @!p0 $0x100000, s0  }
0x176: {  	[sflag:s0] =	ssyncadd.tile.s32 @!p0 $0x1;
	_ =	shalt  }
.Lfunc_end2:
_tile_overlayer_lowered:
.L_overlay_start_2:
0x177: {  	(tag) =	ssettag $0x2  }
0x178: {  	s0 =	rddreg [dreg:$0x0];
	s2 =	stileid.u32  }
0x179: {  	s1 =	rddreg [dreg:$0x1];
	p0 =	sne.s32 s2, $0x0  }
0x17a: {  	s3 =	rddreg [dreg:$0x2];
	[bflag:$0x3] =	sbarrier.arrive $0xFFFF;
	s2 =	simm.s32 @!p0 $0x1C03  }
0x17b: {  	[timem:s3], [sflag:s2] =	dma.local @!p0 [hbm:s0], s1  }
0x17c: {  	s0 =	simm.s32 @!p0 $0x3  }
0x17d: {  	_ =	swait.ge @!p0 [sflag:s0], s1  }
0x17e: {  	s1 =	ssub.s32 @!p0 $0x0, s1;
	[sflag:s0] =	ssyncset.done @!p0 $0x0  }
0x17f: {  	[sflag:s0] =	ssyncadd.s32 @!p0 s1  }
0x180: {  	[bflag:$0x3] =	sbarrier.arrive $0xFFFF  }
0x181: {  	_ =	shalt  }

</sc_bundles>
